<compile_context>
chip_gen: v7x
topology: tpu7x:2x2x1
jax: 0.10.2.dev20260603
libtpu: 0.0.44.dev20260713+nightly
codegen_flags: <defaults>
</compile_context>

<pallas_src>
import jax
import jax.numpy as jnp
from jax import lax
from jax.experimental import pallas as pl
from jax.experimental.pallas import tpu as pltpu
from jax.experimental.pallas import tpu_sc as plsc

B, T = 4096, 50
D = 128
NBUF = 7


def kernel(x, embed_weight):
    info = plsc.get_sparse_core_info()
    nc, ns = info.num_cores, info.num_subcores
    nw = nc * ns
    per_w = B // nw

    mesh = plsc.VectorSubcoreMesh(core_axis_name="c", subcore_axis_name="s")

    @pl.kernel(
        out_type=jax.ShapeDtypeStruct((T, B, D), jnp.float32),
        mesh=mesh,
        scratch_types=[
            pltpu.VMEM((T, per_w), jnp.int32),
            pltpu.VMEM((NBUF, per_w, D), jnp.float32),
            pltpu.SemaphoreType.DMA((NBUF,)),
            pltpu.SemaphoreType.DMA((NBUF,)),
        ],
    )
    def run(xt_hbm, w_hbm, out_hbm, idx_v, rows_v, gsem, ssem):
        wid = lax.axis_index("s") * nc + lax.axis_index("c")
        b0 = wid * per_w
        pltpu.sync_copy(xt_hbm.at[:, pl.ds(b0, per_w)], idx_v)

        for b in range(NBUF):
            pltpu.async_copy(w_hbm.at[idx_v.at[b]], rows_v.at[b], gsem.at[b])

        def step(t, b):
            pltpu.make_async_copy(
                w_hbm.at[idx_v.at[0]], rows_v.at[b], gsem.at[b]).wait()
            pltpu.async_copy(
                rows_v.at[b], out_hbm.at[t].at[pl.ds(b0, per_w)], ssem.at[b])
            @pl.when(t + NBUF < T)
            def _():
                pltpu.make_async_copy(
                    rows_v.at[b], out_hbm.at[0].at[pl.ds(b0, per_w)],
                    ssem.at[b]).wait()
                pltpu.async_copy(
                    w_hbm.at[idx_v.at[t + NBUF]], rows_v.at[b], gsem.at[b])

        def outer(i, carry):
            for b in range(NBUF):
                step(i * NBUF + b, b)
            return carry

        n_full = T // NBUF
        lax.fori_loop(0, n_full, outer, 0)
        for b in range(T - n_full * NBUF):
            step(n_full * NBUF + b, b)

        for b in range(NBUF):
            pltpu.make_async_copy(
                rows_v.at[b], out_hbm.at[0].at[pl.ds(b0, per_w)],
                ssem.at[b]).wait()

    out_tr = run(x.astype(jnp.int32).T, embed_weight)
    return jnp.transpose(out_tr, (1, 0, 2))

# --- scband reference (transcript-rebuilt; emitter-appended) ---
"""Pipeline reference for scband-embedder-83502754169437 (READ-ONLY COPY).

The authoritative reference and input builder live on the scoring server;
editing this copy changes nothing except your own understanding.
"""

import jax, jax.numpy as jnp
import numpy as np

VOCAB = 100000
D_MODEL = 128

def setup_inputs(seed: int = 0) -> dict:
    key = jax.random.key(seed)
    k_idx, k_w = jax.random.split(key)
    x = jax.random.randint(k_idx, (4096, 50), 0, VOCAB, dtype=jnp.int64 if jax.config.jax_enable_x64 else jnp.int32)
    # nn.Embedding default init: N(0, 1)
    embed_weight = jax.random.normal(k_w, (VOCAB, D_MODEL), dtype=jnp.float32)
    return {"x": x, "embed_weight": embed_weight}

def reference(x, embed_weight):
    # Faithful translation of nn.Embedding lookup: out[b, t, :] = W[x[b, t], :]
    return jnp.take(embed_weight, x, axis=0)

if __name__ == "__main__":
    import jax
    _d = setup_inputs()
    print(jax.jit(kernel)(*tuple(_d.values())))

</pallas_src>

<mosaic_0001>
#map = affine_map<(d0, d1) -> (0, 0)>
#map1 = affine_map<(d0, d1) -> (0, 0, 0)>
module attributes {stable_mosaic.version = 14 : i64} {
  func.func @run(%arg0: i32, %arg1: i32, %arg2: memref<50x4096xi32, #tpu.memory_space<hbm>>, %arg3: memref<100000x128xf32, #tpu.memory_space<hbm>>, %arg4: memref<50x4096x128xf32, #tpu.memory_space<hbm>>, %arg5: memref<50x128xi32, #tpu.memory_space<vmem>>, %arg6: memref<7x128x128xf32, #tpu.memory_space<vmem>>, %arg7: memref<7x!tpu.dma_semaphore, #tpu.memory_space<semaphore_mem>>, %arg8: memref<7x!tpu.dma_semaphore, #tpu.memory_space<semaphore_mem>>) attributes {dimension_semantics = [#tpu.dimension_semantics<core_parallel>, #tpu.dimension_semantics<subcore_parallel>], iteration_bounds = array<i64: 2, 16>, scalar_prefetch = 0 : i64, scratch_operands = 4 : i64, tpu.core_type = #tpu.core_type<sc_vector_subcore>, window_params = [{transform_indices = #map}, {transform_indices = #map}, {transform_indices = #map1}]} {
    %mul3A = arith.constant 2 : i32
    %mul3A_0 = arith.muli %arg1, %mul3A : i32
    %add3A = arith.addi %mul3A_0, %arg0 : i32
    %mul3A_1 = arith.constant 128 : i32
    %mul3A_2 = arith.muli %add3A, %mul3A_1 : i32
    "tpu.region"() ({
      %run_scoped3A = tpu.sem_alloc : memref<!tpu.dma_semaphore, #tpu.memory_space<semaphore_mem>>
      %dma_start3A_326 = arith.constant 0 : i32
      %dma_start3A_327 = tpu.memref_slice %arg2[%dma_start3A_326, %mul3A_2] : memref<50x4096xi32, #tpu.memory_space<hbm>> -> memref<50x128xi32, #tpu.memory_space<hbm>>
      %dma_start3A_328 = arith.constant 0 : i32
      %dma_start3A_329 = tpu.memref_slice %arg2[%dma_start3A_328, %mul3A_2] : memref<50x4096xi32, #tpu.memory_space<hbm>> -> memref<50x128xi32, #tpu.memory_space<hbm>>
      tpu.enqueue_dma source(%dma_start3A_329 : memref<50x128xi32, #tpu.memory_space<hbm>>) target(%arg5 : memref<50x128xi32, #tpu.memory_space<vmem>>) target_semaphore(%run_scoped3A : memref<!tpu.dma_semaphore, #tpu.memory_space<semaphore_mem>>)
      %dma_wait3A_330 = arith.constant 0 : i32
      %dma_wait3A_331 = tpu.memref_slice %arg2[%dma_wait3A_330, %mul3A_2] : memref<50x4096xi32, #tpu.memory_space<hbm>> -> memref<50x128xi32, #tpu.memory_space<hbm>>
      %dma_wait3A_332 = arith.constant 0 : i32
      %dma_wait3A_333 = tpu.memref_slice %arg2[%dma_wait3A_332, %mul3A_2] : memref<50x4096xi32, #tpu.memory_space<hbm>> -> memref<50x128xi32, #tpu.memory_space<hbm>>
      tpu.wait_dma2 semaphore(%run_scoped3A : memref<!tpu.dma_semaphore, #tpu.memory_space<semaphore_mem>>) src(%dma_wait3A_333 : memref<50x128xi32, #tpu.memory_space<hbm>>) dst(%arg5 : memref<50x128xi32, #tpu.memory_space<vmem>>)
      tpu.yield
    }) : () -> ()
    %dma_start3A = arith.constant 0 : i32
    %dma_start3A_3 = arith.constant 0 : i32
    %dma_start3A_4 = arith.constant 0 : i32
    %dma_start3A_5 = arith.constant 0 : i32
    %dma_start3A_6 = arith.constant 0 : i32
    %dma_start3A_7 = tpu.memref_slice %arg6[%dma_start3A_3, %dma_start3A_5, %dma_start3A_6] : memref<7x128x128xf32, #tpu.memory_space<vmem>> -> memref<1x128x128xf32, #tpu.memory_space<vmem>>
    %dma_start3A_8 = tpu.memref_squeeze %dma_start3A_7 : memref<1x128x128xf32, #tpu.memory_space<vmem>> -> memref<128x128xf32, #tpu.memory_space<vmem>>
    %dma_start3A_9 = arith.constant 0 : i32
    %dma_start3A_10 = tpu.memref_slice %arg5[%dma_start3A, %dma_start3A_9] : memref<50x128xi32, #tpu.memory_space<vmem>> -> memref<1x128xi32, #tpu.memory_space<vmem>>
    %dma_start3A_11 = tpu.memref_squeeze %dma_start3A_10 : memref<1x128xi32, #tpu.memory_space<vmem>> -> memref<128xi32, #tpu.memory_space<vmem>>
    %dma_start3A_12 = arith.constant 0 : i32
    %dma_start3A_13 = arith.constant 0 : i32
    %dma_start3A_14 = tpu.memref_slice %arg3[%dma_start3A_12, %dma_start3A_13] : memref<100000x128xf32, #tpu.memory_space<hbm>> -> memref<100000x128xf32, #tpu.memory_space<hbm>>
    %dma_start3A_15 = tpu.memref_slice %arg7[%dma_start3A_4] : memref<7x!tpu.dma_semaphore, #tpu.memory_space<semaphore_mem>> -> memref<1x!tpu.dma_semaphore, #tpu.memory_space<semaphore_mem>>
    %dma_start3A_16 = tpu.memref_squeeze %dma_start3A_15 : memref<1x!tpu.dma_semaphore, #tpu.memory_space<semaphore_mem>> -> memref<!tpu.dma_semaphore, #tpu.memory_space<semaphore_mem>>
    tpu.enqueue_indirect_dma source(%dma_start3A_14 : memref<100000x128xf32, #tpu.memory_space<hbm>>) target(%dma_start3A_8 : memref<128x128xf32, #tpu.memory_space<vmem>>) offsets(%dma_start3A_11 : memref<128xi32, #tpu.memory_space<vmem>>) semaphore(%dma_start3A_16 : memref<!tpu.dma_semaphore, #tpu.memory_space<semaphore_mem>>)
    %dma_start3A_17 = arith.constant 1 : i32
    %dma_start3A_18 = arith.constant 1 : i32
    %dma_start3A_19 = arith.constant 1 : i32
    %dma_start3A_20 = arith.constant 0 : i32
    %dma_start3A_21 = arith.constant 0 : i32
    %dma_start3A_22 = tpu.memref_slice %arg6[%dma_start3A_18, %dma_start3A_20, %dma_start3A_21] : memref<7x128x128xf32, #tpu.memory_space<vmem>> -> memref<1x128x128xf32, #tpu.memory_space<vmem>>
    %dma_start3A_23 = tpu.memref_squeeze %dma_start3A_22 : memref<1x128x128xf32, #tpu.memory_space<vmem>> -> memref<128x128xf32, #tpu.memory_space<vmem>>
    %dma_start3A_24 = arith.constant 0 : i32
    %dma_start3A_25 = tpu.memref_slice %arg5[%dma_start3A_17, %dma_start3A_24] : memref<50x128xi32, #tpu.memory_space<vmem>> -> memref<1x128xi32, #tpu.memory_space<vmem>>
    %dma_start3A_26 = tpu.memref_squeeze %dma_start3A_25 : memref<1x128xi32, #tpu.memory_space<vmem>> -> memref<128xi32, #tpu.memory_space<vmem>>
    %dma_start3A_27 = arith.constant 0 : i32
    %dma_start3A_28 = arith.constant 0 : i32
    %dma_start3A_29 = tpu.memref_slice %arg3[%dma_start3A_27, %dma_start3A_28] : memref<100000x128xf32, #tpu.memory_space<hbm>> -> memref<100000x128xf32, #tpu.memory_space<hbm>>
    %dma_start3A_30 = tpu.memref_slice %arg7[%dma_start3A_19] : memref<7x!tpu.dma_semaphore, #tpu.memory_space<semaphore_mem>> -> memref<1x!tpu.dma_semaphore, #tpu.memory_space<semaphore_mem>>
    %dma_start3A_31 = tpu.memref_squeeze %dma_start3A_30 : memref<1x!tpu.dma_semaphore, #tpu.memory_space<semaphore_mem>> -> memref<!tpu.dma_semaphore, #tpu.memory_space<semaphore_mem>>
    tpu.enqueue_indirect_dma source(%dma_start3A_29 : memref<100000x128xf32, #tpu.memory_space<hbm>>) target(%dma_start3A_23 : memref<128x128xf32, #tpu.memory_space<vmem>>) offsets(%dma_start3A_26 : memref<128xi32, #tpu.memory_space<vmem>>) semaphore(%dma_start3A_31 : memref<!tpu.dma_semaphore, #tpu.memory_space<semaphore_mem>>)
    %dma_start3A_32 = arith.constant 2 : i32
    %dma_start3A_33 = arith.constant 2 : i32
    %dma_start3A_34 = arith.constant 2 : i32
    %dma_start3A_35 = arith.constant 0 : i32
    %dma_start3A_36 = arith.constant 0 : i32
    %dma_start3A_37 = tpu.memref_slice %arg6[%dma_start3A_33, %dma_start3A_35, %dma_start3A_36] : memref<7x128x128xf32, #tpu.memory_space<vmem>> -> memref<1x128x128xf32, #tpu.memory_space<vmem>>
    %dma_start3A_38 = tpu.memref_squeeze %dma_start3A_37 : memref<1x128x128xf32, #tpu.memory_space<vmem>> -> memref<128x128xf32, #tpu.memory_space<vmem>>
    %dma_start3A_39 = arith.constant 0 : i32
    %dma_start3A_40 = tpu.memref_slice %arg5[%dma_start3A_32, %dma_start3A_39] : memref<50x128xi32, #tpu.memory_space<vmem>> -> memref<1x128xi32, #tpu.memory_space<vmem>>
    %dma_start3A_41 = tpu.memref_squeeze %dma_start3A_40 : memref<1x128xi32, #tpu.memory_space<vmem>> -> memref<128xi32, #tpu.memory_space<vmem>>
    %dma_start3A_42 = arith.constant 0 : i32
    %dma_start3A_43 = arith.constant 0 : i32
    %dma_start3A_44 = tpu.memref_slice %arg3[%dma_start3A_42, %dma_start3A_43] : memref<100000x128xf32, #tpu.memory_space<hbm>> -> memref<100000x128xf32, #tpu.memory_space<hbm>>
    %dma_start3A_45 = tpu.memref_slice %arg7[%dma_start3A_34] : memref<7x!tpu.dma_semaphore, #tpu.memory_space<semaphore_mem>> -> memref<1x!tpu.dma_semaphore, #tpu.memory_space<semaphore_mem>>
    %dma_start3A_46 = tpu.memref_squeeze %dma_start3A_45 : memref<1x!tpu.dma_semaphore, #tpu.memory_space<semaphore_mem>> -> memref<!tpu.dma_semaphore, #tpu.memory_space<semaphore_mem>>
    tpu.enqueue_indirect_dma source(%dma_start3A_44 : memref<100000x128xf32, #tpu.memory_space<hbm>>) target(%dma_start3A_38 : memref<128x128xf32, #tpu.memory_space<vmem>>) offsets(%dma_start3A_41 : memref<128xi32, #tpu.memory_space<vmem>>) semaphore(%dma_start3A_46 : memref<!tpu.dma_semaphore, #tpu.memory_space<semaphore_mem>>)
    %dma_start3A_47 = arith.constant 3 : i32
    %dma_start3A_48 = arith.constant 3 : i32
    %dma_start3A_49 = arith.constant 3 : i32
    %dma_start3A_50 = arith.constant 0 : i32
    %dma_start3A_51 = arith.constant 0 : i32
    %dma_start3A_52 = tpu.memref_slice %arg6[%dma_start3A_48, %dma_start3A_50, %dma_start3A_51] : memref<7x128x128xf32, #tpu.memory_space<vmem>> -> memref<1x128x128xf32, #tpu.memory_space<vmem>>
    %dma_start3A_53 = tpu.memref_squeeze %dma_start3A_52 : memref<1x128x128xf32, #tpu.memory_space<vmem>> -> memref<128x128xf32, #tpu.memory_space<vmem>>
    %dma_start3A_54 = arith.constant 0 : i32
    %dma_start3A_55 = tpu.memref_slice %arg5[%dma_start3A_47, %dma_start3A_54] : memref<50x128xi32, #tpu.memory_space<vmem>> -> memref<1x128xi32, #tpu.memory_space<vmem>>
    %dma_start3A_56 = tpu.memref_squeeze %dma_start3A_55 : memref<1x128xi32, #tpu.memory_space<vmem>> -> memref<128xi32, #tpu.memory_space<vmem>>
    %dma_start3A_57 = arith.constant 0 : i32
    %dma_start3A_58 = arith.constant 0 : i32
    %dma_start3A_59 = tpu.memref_slice %arg3[%dma_start3A_57, %dma_start3A_58] : memref<100000x128xf32, #tpu.memory_space<hbm>> -> memref<100000x128xf32, #tpu.memory_space<hbm>>
    %dma_start3A_60 = tpu.memref_slice %arg7[%dma_start3A_49] : memref<7x!tpu.dma_semaphore, #tpu.memory_space<semaphore_mem>> -> memref<1x!tpu.dma_semaphore, #tpu.memory_space<semaphore_mem>>
    %dma_start3A_61 = tpu.memref_squeeze %dma_start3A_60 : memref<1x!tpu.dma_semaphore, #tpu.memory_space<semaphore_mem>> -> memref<!tpu.dma_semaphore, #tpu.memory_space<semaphore_mem>>
    tpu.enqueue_indirect_dma source(%dma_start3A_59 : memref<100000x128xf32, #tpu.memory_space<hbm>>) target(%dma_start3A_53 : memref<128x128xf32, #tpu.memory_space<vmem>>) offsets(%dma_start3A_56 : memref<128xi32, #tpu.memory_space<vmem>>) semaphore(%dma_start3A_61 : memref<!tpu.dma_semaphore, #tpu.memory_space<semaphore_mem>>)
    %dma_start3A_62 = arith.constant 4 : i32
    %dma_start3A_63 = arith.constant 4 : i32
    %dma_start3A_64 = arith.constant 4 : i32
    %dma_start3A_65 = arith.constant 0 : i32
    %dma_start3A_66 = arith.constant 0 : i32
    %dma_start3A_67 = tpu.memref_slice %arg6[%dma_start3A_63, %dma_start3A_65, %dma_start3A_66] : memref<7x128x128xf32, #tpu.memory_space<vmem>> -> memref<1x128x128xf32, #tpu.memory_space<vmem>>
    %dma_start3A_68 = tpu.memref_squeeze %dma_start3A_67 : memref<1x128x128xf32, #tpu.memory_space<vmem>> -> memref<128x128xf32, #tpu.memory_space<vmem>>
    %dma_start3A_69 = arith.constant 0 : i32
    %dma_start3A_70 = tpu.memref_slice %arg5[%dma_start3A_62, %dma_start3A_69] : memref<50x128xi32, #tpu.memory_space<vmem>> -> memref<1x128xi32, #tpu.memory_space<vmem>>
    %dma_start3A_71 = tpu.memref_squeeze %dma_start3A_70 : memref<1x128xi32, #tpu.memory_space<vmem>> -> memref<128xi32, #tpu.memory_space<vmem>>
    %dma_start3A_72 = arith.constant 0 : i32
    %dma_start3A_73 = arith.constant 0 : i32
    %dma_start3A_74 = tpu.memref_slice %arg3[%dma_start3A_72, %dma_start3A_73] : memref<100000x128xf32, #tpu.memory_space<hbm>> -> memref<100000x128xf32, #tpu.memory_space<hbm>>
    %dma_start3A_75 = tpu.memref_slice %arg7[%dma_start3A_64] : memref<7x!tpu.dma_semaphore, #tpu.memory_space<semaphore_mem>> -> memref<1x!tpu.dma_semaphore, #tpu.memory_space<semaphore_mem>>
    %dma_start3A_76 = tpu.memref_squeeze %dma_start3A_75 : memref<1x!tpu.dma_semaphore, #tpu.memory_space<semaphore_mem>> -> memref<!tpu.dma_semaphore, #tpu.memory_space<semaphore_mem>>
    tpu.enqueue_indirect_dma source(%dma_start3A_74 : memref<100000x128xf32, #tpu.memory_space<hbm>>) target(%dma_start3A_68 : memref<128x128xf32, #tpu.memory_space<vmem>>) offsets(%dma_start3A_71 : memref<128xi32, #tpu.memory_space<vmem>>) semaphore(%dma_start3A_76 : memref<!tpu.dma_semaphore, #tpu.memory_space<semaphore_mem>>)
    %dma_start3A_77 = arith.constant 5 : i32
    %dma_start3A_78 = arith.constant 5 : i32
    %dma_start3A_79 = arith.constant 5 : i32
    %dma_start3A_80 = arith.constant 0 : i32
    %dma_start3A_81 = arith.constant 0 : i32
    %dma_start3A_82 = tpu.memref_slice %arg6[%dma_start3A_78, %dma_start3A_80, %dma_start3A_81] : memref<7x128x128xf32, #tpu.memory_space<vmem>> -> memref<1x128x128xf32, #tpu.memory_space<vmem>>
    %dma_start3A_83 = tpu.memref_squeeze %dma_start3A_82 : memref<1x128x128xf32, #tpu.memory_space<vmem>> -> memref<128x128xf32, #tpu.memory_space<vmem>>
    %dma_start3A_84 = arith.constant 0 : i32
    %dma_start3A_85 = tpu.memref_slice %arg5[%dma_start3A_77, %dma_start3A_84] : memref<50x128xi32, #tpu.memory_space<vmem>> -> memref<1x128xi32, #tpu.memory_space<vmem>>
    %dma_start3A_86 = tpu.memref_squeeze %dma_start3A_85 : memref<1x128xi32, #tpu.memory_space<vmem>> -> memref<128xi32, #tpu.memory_space<vmem>>
    %dma_start3A_87 = arith.constant 0 : i32
    %dma_start3A_88 = arith.constant 0 : i32
    %dma_start3A_89 = tpu.memref_slice %arg3[%dma_start3A_87, %dma_start3A_88] : memref<100000x128xf32, #tpu.memory_space<hbm>> -> memref<100000x128xf32, #tpu.memory_space<hbm>>
    %dma_start3A_90 = tpu.memref_slice %arg7[%dma_start3A_79] : memref<7x!tpu.dma_semaphore, #tpu.memory_space<semaphore_mem>> -> memref<1x!tpu.dma_semaphore, #tpu.memory_space<semaphore_mem>>
    %dma_start3A_91 = tpu.memref_squeeze %dma_start3A_90 : memref<1x!tpu.dma_semaphore, #tpu.memory_space<semaphore_mem>> -> memref<!tpu.dma_semaphore, #tpu.memory_space<semaphore_mem>>
    tpu.enqueue_indirect_dma source(%dma_start3A_89 : memref<100000x128xf32, #tpu.memory_space<hbm>>) target(%dma_start3A_83 : memref<128x128xf32, #tpu.memory_space<vmem>>) offsets(%dma_start3A_86 : memref<128xi32, #tpu.memory_space<vmem>>) semaphore(%dma_start3A_91 : memref<!tpu.dma_semaphore, #tpu.memory_space<semaphore_mem>>)
    %dma_start3A_92 = arith.constant 6 : i32
    %dma_start3A_93 = arith.constant 6 : i32
    %dma_start3A_94 = arith.constant 6 : i32
    %dma_start3A_95 = arith.constant 0 : i32
    %dma_start3A_96 = arith.constant 0 : i32
    %dma_start3A_97 = tpu.memref_slice %arg6[%dma_start3A_93, %dma_start3A_95, %dma_start3A_96] : memref<7x128x128xf32, #tpu.memory_space<vmem>> -> memref<1x128x128xf32, #tpu.memory_space<vmem>>
    %dma_start3A_98 = tpu.memref_squeeze %dma_start3A_97 : memref<1x128x128xf32, #tpu.memory_space<vmem>> -> memref<128x128xf32, #tpu.memory_space<vmem>>
    %dma_start3A_99 = arith.constant 0 : i32
    %dma_start3A_100 = tpu.memref_slice %arg5[%dma_start3A_92, %dma_start3A_99] : memref<50x128xi32, #tpu.memory_space<vmem>> -> memref<1x128xi32, #tpu.memory_space<vmem>>
    %dma_start3A_101 = tpu.memref_squeeze %dma_start3A_100 : memref<1x128xi32, #tpu.memory_space<vmem>> -> memref<128xi32, #tpu.memory_space<vmem>>
    %dma_start3A_102 = arith.constant 0 : i32
    %dma_start3A_103 = arith.constant 0 : i32
    %dma_start3A_104 = tpu.memref_slice %arg3[%dma_start3A_102, %dma_start3A_103] : memref<100000x128xf32, #tpu.memory_space<hbm>> -> memref<100000x128xf32, #tpu.memory_space<hbm>>
    %dma_start3A_105 = tpu.memref_slice %arg7[%dma_start3A_94] : memref<7x!tpu.dma_semaphore, #tpu.memory_space<semaphore_mem>> -> memref<1x!tpu.dma_semaphore, #tpu.memory_space<semaphore_mem>>
    %dma_start3A_106 = tpu.memref_squeeze %dma_start3A_105 : memref<1x!tpu.dma_semaphore, #tpu.memory_space<semaphore_mem>> -> memref<!tpu.dma_semaphore, #tpu.memory_space<semaphore_mem>>
    tpu.enqueue_indirect_dma source(%dma_start3A_104 : memref<100000x128xf32, #tpu.memory_space<hbm>>) target(%dma_start3A_98 : memref<128x128xf32, #tpu.memory_space<vmem>>) offsets(%dma_start3A_101 : memref<128xi32, #tpu.memory_space<vmem>>) semaphore(%dma_start3A_106 : memref<!tpu.dma_semaphore, #tpu.memory_space<semaphore_mem>>)
    %scan3A = arith.constant 0 : i32
    %scan3A_107 = arith.constant 0 : i32
    %scan3A_108 = arith.constant 7 : i32
    %scan3A_109 = arith.addi %scan3A_107, %scan3A_108 : i32
    %scan3A_110 = arith.constant 1 : i32
    scf.for %scan3A_326 = %scan3A_107 to %scan3A_109 step %scan3A_110  : i32 {
      %mul3A_327 = arith.constant 7 : i32
      %mul3A_328 = arith.muli %scan3A_326, %mul3A_327 : i32
      %add3A_329 = arith.constant 0 : i32
      %add3A_330 = arith.addi %mul3A_328, %add3A_329 : i32
      %dma_wait3A_331 = arith.constant 0 : i32
      %dma_wait3A_332 = arith.constant 0 : i32
      %dma_wait3A_333 = arith.constant 0 : i32
      %dma_wait3A_334 = arith.constant 0 : i32
      %dma_wait3A_335 = arith.constant 0 : i32
      %dma_wait3A_336 = tpu.memref_slice %arg6[%dma_wait3A_332, %dma_wait3A_334, %dma_wait3A_335] : memref<7x128x128xf32, #tpu.memory_space<vmem>> -> memref<1x128x128xf32, #tpu.memory_space<vmem>>
      %dma_wait3A_337 = tpu.memref_squeeze %dma_wait3A_336 : memref<1x128x128xf32, #tpu.memory_space<vmem>> -> memref<128x128xf32, #tpu.memory_space<vmem>>
      %dma_wait3A_338 = arith.constant 0 : i32
      %dma_wait3A_339 = tpu.memref_slice %arg5[%dma_wait3A_331, %dma_wait3A_338] : memref<50x128xi32, #tpu.memory_space<vmem>> -> memref<1x128xi32, #tpu.memory_space<vmem>>
      %dma_wait3A_340 = tpu.memref_squeeze %dma_wait3A_339 : memref<1x128xi32, #tpu.memory_space<vmem>> -> memref<128xi32, #tpu.memory_space<vmem>>
      %dma_wait3A_341 = arith.constant 0 : i32
      %dma_wait3A_342 = arith.constant 0 : i32
      %dma_wait3A_343 = tpu.memref_slice %arg3[%dma_wait3A_341, %dma_wait3A_342] : memref<100000x128xf32, #tpu.memory_space<hbm>> -> memref<100000x128xf32, #tpu.memory_space<hbm>>
      %dma_wait3A_344 = tpu.memref_slice %arg7[%dma_wait3A_333] : memref<7x!tpu.dma_semaphore, #tpu.memory_space<semaphore_mem>> -> memref<1x!tpu.dma_semaphore, #tpu.memory_space<semaphore_mem>>
      %dma_wait3A_345 = tpu.memref_squeeze %dma_wait3A_344 : memref<1x!tpu.dma_semaphore, #tpu.memory_space<semaphore_mem>> -> memref<!tpu.dma_semaphore, #tpu.memory_space<semaphore_mem>>
      tpu.wait_indirect_dma semaphore(%dma_wait3A_345 : memref<!tpu.dma_semaphore, #tpu.memory_space<semaphore_mem>>) src(%dma_wait3A_343 : memref<100000x128xf32, #tpu.memory_space<hbm>>) dst(%dma_wait3A_337 : memref<128x128xf32, #tpu.memory_space<vmem>>)
      %dma_start3A_346 = arith.constant 0 : i32
      %dma_start3A_347 = arith.constant 0 : i32
      %dma_start3A_348 = arith.constant 0 : i32
      %dma_start3A_349 = arith.constant 0 : i32
      %dma_start3A_350 = tpu.memref_slice %arg6[%dma_start3A_346, %dma_start3A_348, %dma_start3A_349] : memref<7x128x128xf32, #tpu.memory_space<vmem>> -> memref<1x128x128xf32, #tpu.memory_space<vmem>>
      %dma_start3A_351 = tpu.memref_squeeze %dma_start3A_350 : memref<1x128x128xf32, #tpu.memory_space<vmem>> -> memref<128x128xf32, #tpu.memory_space<vmem>>
      %dma_start3A_352 = arith.constant 0 : i32
      %dma_start3A_353 = arith.constant 0 : i32
      %dma_start3A_354 = tpu.memref_slice %arg4[%add3A_330, %dma_start3A_352, %dma_start3A_353] : memref<50x4096x128xf32, #tpu.memory_space<hbm>> -> memref<1x4096x128xf32, #tpu.memory_space<hbm>>
      %dma_start3A_355 = tpu.memref_squeeze %dma_start3A_354 : memref<1x4096x128xf32, #tpu.memory_space<hbm>> -> memref<4096x128xf32, #tpu.memory_space<hbm>>
      %dma_start3A_356 = arith.constant 0 : i32
      %dma_start3A_357 = tpu.memref_slice %dma_start3A_355[%mul3A_2, %dma_start3A_356] : memref<4096x128xf32, #tpu.memory_space<hbm>> -> memref<128x128xf32, #tpu.memory_space<hbm>>
      %dma_start3A_358 = tpu.memref_slice %arg8[%dma_start3A_347] : memref<7x!tpu.dma_semaphore, #tpu.memory_space<semaphore_mem>> -> memref<1x!tpu.dma_semaphore, #tpu.memory_space<semaphore_mem>>
      %dma_start3A_359 = tpu.memref_squeeze %dma_start3A_358 : memref<1x!tpu.dma_semaphore, #tpu.memory_space<semaphore_mem>> -> memref<!tpu.dma_semaphore, #tpu.memory_space<semaphore_mem>>
      %dma_start3A_360 = arith.constant 0 : i32
      %dma_start3A_361 = arith.constant 0 : i32
      %dma_start3A_362 = tpu.memref_slice %arg4[%add3A_330, %dma_start3A_360, %dma_start3A_361] : memref<50x4096x128xf32, #tpu.memory_space<hbm>> -> memref<1x4096x128xf32, #tpu.memory_space<hbm>>
      %dma_start3A_363 = tpu.memref_squeeze %dma_start3A_362 : memref<1x4096x128xf32, #tpu.memory_space<hbm>> -> memref<4096x128xf32, #tpu.memory_space<hbm>>
      %dma_start3A_364 = arith.constant 0 : i32
      %dma_start3A_365 = tpu.memref_slice %dma_start3A_363[%mul3A_2, %dma_start3A_364] : memref<4096x128xf32, #tpu.memory_space<hbm>> -> memref<128x128xf32, #tpu.memory_space<hbm>>
      %dma_start3A_366 = arith.constant 0 : i32
      %dma_start3A_367 = arith.constant 0 : i32
      %dma_start3A_368 = tpu.memref_slice %arg6[%dma_start3A_346, %dma_start3A_366, %dma_start3A_367] : memref<7x128x128xf32, #tpu.memory_space<vmem>> -> memref<1x128x128xf32, #tpu.memory_space<vmem>>
      %dma_start3A_369 = tpu.memref_squeeze %dma_start3A_368 : memref<1x128x128xf32, #tpu.memory_space<vmem>> -> memref<128x128xf32, #tpu.memory_space<vmem>>
      tpu.enqueue_dma source(%dma_start3A_369 : memref<128x128xf32, #tpu.memory_space<vmem>>) target(%dma_start3A_365 : memref<128x128xf32, #tpu.memory_space<hbm>>) target_semaphore(%dma_start3A_359 : memref<!tpu.dma_semaphore, #tpu.memory_space<semaphore_mem>>)
      %add3A_370 = arith.constant 7 : i32
      %add3A_371 = arith.addi %add3A_330, %add3A_370 : i32
      %lt3A = arith.constant 50 : i32
      %lt3A_372 = arith.cmpi slt, %add3A_371, %lt3A : i32
      %convert_element_type3A = arith.extui %lt3A_372 : i1 to i32
      %cond3A = arith.constant 0 : i32
      %cond3A_373 = arith.cmpi ne, %convert_element_type3A, %cond3A : i32
      scf.if %cond3A_373 {
        %dma_wait3A_674 = arith.constant 0 : i32
        %dma_wait3A_675 = arith.constant 0 : i32
        %dma_wait3A_676 = arith.constant 0 : i32
        %dma_wait3A_677 = arith.constant 0 : i32
        %dma_wait3A_678 = arith.constant 0 : i32
        %dma_wait3A_679 = tpu.memref_slice %arg6[%dma_wait3A_674, %dma_wait3A_677, %dma_wait3A_678] : memref<7x128x128xf32, #tpu.memory_space<vmem>> -> memref<1x128x128xf32, #tpu.memory_space<vmem>>
        %dma_wait3A_680 = tpu.memref_squeeze %dma_wait3A_679 : memref<1x128x128xf32, #tpu.memory_space<vmem>> -> memref<128x128xf32, #tpu.memory_space<vmem>>
        %dma_wait3A_681 = arith.constant 0 : i32
        %dma_wait3A_682 = arith.constant 0 : i32
        %dma_wait3A_683 = tpu.memref_slice %arg4[%dma_wait3A_675, %dma_wait3A_681, %dma_wait3A_682] : memref<50x4096x128xf32, #tpu.memory_space<hbm>> -> memref<1x4096x128xf32, #tpu.memory_space<hbm>>
        %dma_wait3A_684 = tpu.memref_squeeze %dma_wait3A_683 : memref<1x4096x128xf32, #tpu.memory_space<hbm>> -> memref<4096x128xf32, #tpu.memory_space<hbm>>
        %dma_wait3A_685 = arith.constant 0 : i32
        %dma_wait3A_686 = tpu.memref_slice %dma_wait3A_684[%mul3A_2, %dma_wait3A_685] : memref<4096x128xf32, #tpu.memory_space<hbm>> -> memref<128x128xf32, #tpu.memory_space<hbm>>
        %dma_wait3A_687 = tpu.memref_slice %arg8[%dma_wait3A_676] : memref<7x!tpu.dma_semaphore, #tpu.memory_space<semaphore_mem>> -> memref<1x!tpu.dma_semaphore, #tpu.memory_space<semaphore_mem>>
        %dma_wait3A_688 = tpu.memref_squeeze %dma_wait3A_687 : memref<1x!tpu.dma_semaphore, #tpu.memory_space<semaphore_mem>> -> memref<!tpu.dma_semaphore, #tpu.memory_space<semaphore_mem>>
        %dma_wait3A_689 = arith.constant 0 : i32
        %dma_wait3A_690 = arith.constant 0 : i32
        %dma_wait3A_691 = tpu.memref_slice %arg4[%dma_wait3A_675, %dma_wait3A_689, %dma_wait3A_690] : memref<50x4096x128xf32, #tpu.memory_space<hbm>> -> memref<1x4096x128xf32, #tpu.memory_space<hbm>>
        %dma_wait3A_692 = tpu.memref_squeeze %dma_wait3A_691 : memref<1x4096x128xf32, #tpu.memory_space<hbm>> -> memref<4096x128xf32, #tpu.memory_space<hbm>>
        %dma_wait3A_693 = arith.constant 0 : i32
        %dma_wait3A_694 = tpu.memref_slice %dma_wait3A_692[%mul3A_2, %dma_wait3A_693] : memref<4096x128xf32, #tpu.memory_space<hbm>> -> memref<128x128xf32, #tpu.memory_space<hbm>>
        %dma_wait3A_695 = arith.constant 0 : i32
        %dma_wait3A_696 = arith.constant 0 : i32
        %dma_wait3A_697 = tpu.memref_slice %arg6[%dma_wait3A_674, %dma_wait3A_695, %dma_wait3A_696] : memref<7x128x128xf32, #tpu.memory_space<vmem>> -> memref<1x128x128xf32, #tpu.memory_space<vmem>>
        %dma_wait3A_698 = tpu.memref_squeeze %dma_wait3A_697 : memref<1x128x128xf32, #tpu.memory_space<vmem>> -> memref<128x128xf32, #tpu.memory_space<vmem>>
        tpu.wait_dma2 semaphore(%dma_wait3A_688 : memref<!tpu.dma_semaphore, #tpu.memory_space<semaphore_mem>>) src(%dma_wait3A_698 : memref<128x128xf32, #tpu.memory_space<vmem>>) dst(%dma_wait3A_694 : memref<128x128xf32, #tpu.memory_space<hbm>>)
        %add3A_699 = arith.constant 7 : i32
        %add3A_700 = arith.addi %add3A_330, %add3A_699 : i32
        %dma_start3A_701 = arith.constant 0 : i32
        %dma_start3A_702 = arith.constant 0 : i32
        %dma_start3A_703 = arith.constant 0 : i32
        %dma_start3A_704 = arith.constant 0 : i32
        %dma_start3A_705 = tpu.memref_slice %arg6[%dma_start3A_701, %dma_start3A_703, %dma_start3A_704] : memref<7x128x128xf32, #tpu.memory_space<vmem>> -> memref<1x128x128xf32, #tpu.memory_space<vmem>>
        %dma_start3A_706 = tpu.memref_squeeze %dma_start3A_705 : memref<1x128x128xf32, #tpu.memory_space<vmem>> -> memref<128x128xf32, #tpu.memory_space<vmem>>
        %dma_start3A_707 = arith.constant 0 : i32
        %dma_start3A_708 = tpu.memref_slice %arg5[%add3A_700, %dma_start3A_707] : memref<50x128xi32, #tpu.memory_space<vmem>> -> memref<1x128xi32, #tpu.memory_space<vmem>>
        %dma_start3A_709 = tpu.memref_squeeze %dma_start3A_708 : memref<1x128xi32, #tpu.memory_space<vmem>> -> memref<128xi32, #tpu.memory_space<vmem>>
        %dma_start3A_710 = arith.constant 0 : i32
        %dma_start3A_711 = arith.constant 0 : i32
        %dma_start3A_712 = tpu.memref_slice %arg3[%dma_start3A_710, %dma_start3A_711] : memref<100000x128xf32, #tpu.memory_space<hbm>> -> memref<100000x128xf32, #tpu.memory_space<hbm>>
        %dma_start3A_713 = tpu.memref_slice %arg7[%dma_start3A_702] : memref<7x!tpu.dma_semaphore, #tpu.memory_space<semaphore_mem>> -> memref<1x!tpu.dma_semaphore, #tpu.memory_space<semaphore_mem>>
        %dma_start3A_714 = tpu.memref_squeeze %dma_start3A_713 : memref<1x!tpu.dma_semaphore, #tpu.memory_space<semaphore_mem>> -> memref<!tpu.dma_semaphore, #tpu.memory_space<semaphore_mem>>
        tpu.enqueue_indirect_dma source(%dma_start3A_712 : memref<100000x128xf32, #tpu.memory_space<hbm>>) target(%dma_start3A_706 : memref<128x128xf32, #tpu.memory_space<vmem>>) offsets(%dma_start3A_709 : memref<128xi32, #tpu.memory_space<vmem>>) semaphore(%dma_start3A_714 : memref<!tpu.dma_semaphore, #tpu.memory_space<semaphore_mem>>)
      } else {
      }
      %mul3A_374 = arith.constant 7 : i32
      %mul3A_375 = arith.muli %scan3A_326, %mul3A_374 : i32
      %add3A_376 = arith.constant 1 : i32
      %add3A_377 = arith.addi %mul3A_375, %add3A_376 : i32
      %dma_wait3A_378 = arith.constant 0 : i32
      %dma_wait3A_379 = arith.constant 1 : i32
      %dma_wait3A_380 = arith.constant 1 : i32
      %dma_wait3A_381 = arith.constant 0 : i32
      %dma_wait3A_382 = arith.constant 0 : i32
      %dma_wait3A_383 = tpu.memref_slice %arg6[%dma_wait3A_379, %dma_wait3A_381, %dma_wait3A_382] : memref<7x128x128xf32, #tpu.memory_space<vmem>> -> memref<1x128x128xf32, #tpu.memory_space<vmem>>
      %dma_wait3A_384 = tpu.memref_squeeze %dma_wait3A_383 : memref<1x128x128xf32, #tpu.memory_space<vmem>> -> memref<128x128xf32, #tpu.memory_space<vmem>>
      %dma_wait3A_385 = arith.constant 0 : i32
      %dma_wait3A_386 = tpu.memref_slice %arg5[%dma_wait3A_378, %dma_wait3A_385] : memref<50x128xi32, #tpu.memory_space<vmem>> -> memref<1x128xi32, #tpu.memory_space<vmem>>
      %dma_wait3A_387 = tpu.memref_squeeze %dma_wait3A_386 : memref<1x128xi32, #tpu.memory_space<vmem>> -> memref<128xi32, #tpu.memory_space<vmem>>
      %dma_wait3A_388 = arith.constant 0 : i32
      %dma_wait3A_389 = arith.constant 0 : i32
      %dma_wait3A_390 = tpu.memref_slice %arg3[%dma_wait3A_388, %dma_wait3A_389] : memref<100000x128xf32, #tpu.memory_space<hbm>> -> memref<100000x128xf32, #tpu.memory_space<hbm>>
      %dma_wait3A_391 = tpu.memref_slice %arg7[%dma_wait3A_380] : memref<7x!tpu.dma_semaphore, #tpu.memory_space<semaphore_mem>> -> memref<1x!tpu.dma_semaphore, #tpu.memory_space<semaphore_mem>>
      %dma_wait3A_392 = tpu.memref_squeeze %dma_wait3A_391 : memref<1x!tpu.dma_semaphore, #tpu.memory_space<semaphore_mem>> -> memref<!tpu.dma_semaphore, #tpu.memory_space<semaphore_mem>>
      tpu.wait_indirect_dma semaphore(%dma_wait3A_392 : memref<!tpu.dma_semaphore, #tpu.memory_space<semaphore_mem>>) src(%dma_wait3A_390 : memref<100000x128xf32, #tpu.memory_space<hbm>>) dst(%dma_wait3A_384 : memref<128x128xf32, #tpu.memory_space<vmem>>)
      %dma_start3A_393 = arith.constant 1 : i32
      %dma_start3A_394 = arith.constant 1 : i32
      %dma_start3A_395 = arith.constant 0 : i32
      %dma_start3A_396 = arith.constant 0 : i32
      %dma_start3A_397 = tpu.memref_slice %arg6[%dma_start3A_393, %dma_start3A_395, %dma_start3A_396] : memref<7x128x128xf32, #tpu.memory_space<vmem>> -> memref<1x128x128xf32, #tpu.memory_space<vmem>>
      %dma_start3A_398 = tpu.memref_squeeze %dma_start3A_397 : memref<1x128x128xf32, #tpu.memory_space<vmem>> -> memref<128x128xf32, #tpu.memory_space<vmem>>
      %dma_start3A_399 = arith.constant 0 : i32
      %dma_start3A_400 = arith.constant 0 : i32
      %dma_start3A_401 = tpu.memref_slice %arg4[%add3A_377, %dma_start3A_399, %dma_start3A_400] : memref<50x4096x128xf32, #tpu.memory_space<hbm>> -> memref<1x4096x128xf32, #tpu.memory_space<hbm>>
      %dma_start3A_402 = tpu.memref_squeeze %dma_start3A_401 : memref<1x4096x128xf32, #tpu.memory_space<hbm>> -> memref<4096x128xf32, #tpu.memory_space<hbm>>
      %dma_start3A_403 = arith.constant 0 : i32
      %dma_start3A_404 = tpu.memref_slice %dma_start3A_402[%mul3A_2, %dma_start3A_403] : memref<4096x128xf32, #tpu.memory_space<hbm>> -> memref<128x128xf32, #tpu.memory_space<hbm>>
      %dma_start3A_405 = tpu.memref_slice %arg8[%dma_start3A_394] : memref<7x!tpu.dma_semaphore, #tpu.memory_space<semaphore_mem>> -> memref<1x!tpu.dma_semaphore, #tpu.memory_space<semaphore_mem>>
      %dma_start3A_406 = tpu.memref_squeeze %dma_start3A_405 : memref<1x!tpu.dma_semaphore, #tpu.memory_space<semaphore_mem>> -> memref<!tpu.dma_semaphore, #tpu.memory_space<semaphore_mem>>
      %dma_start3A_407 = arith.constant 0 : i32
      %dma_start3A_408 = arith.constant 0 : i32
      %dma_start3A_409 = tpu.memref_slice %arg4[%add3A_377, %dma_start3A_407, %dma_start3A_408] : memref<50x4096x128xf32, #tpu.memory_space<hbm>> -> memref<1x4096x128xf32, #tpu.memory_space<hbm>>
      %dma_start3A_410 = tpu.memref_squeeze %dma_start3A_409 : memref<1x4096x128xf32, #tpu.memory_space<hbm>> -> memref<4096x128xf32, #tpu.memory_space<hbm>>
      %dma_start3A_411 = arith.constant 0 : i32
      %dma_start3A_412 = tpu.memref_slice %dma_start3A_410[%mul3A_2, %dma_start3A_411] : memref<4096x128xf32, #tpu.memory_space<hbm>> -> memref<128x128xf32, #tpu.memory_space<hbm>>
      %dma_start3A_413 = arith.constant 0 : i32
      %dma_start3A_414 = arith.constant 0 : i32
      %dma_start3A_415 = tpu.memref_slice %arg6[%dma_start3A_393, %dma_start3A_413, %dma_start3A_414] : memref<7x128x128xf32, #tpu.memory_space<vmem>> -> memref<1x128x128xf32, #tpu.memory_space<vmem>>
      %dma_start3A_416 = tpu.memref_squeeze %dma_start3A_415 : memref<1x128x128xf32, #tpu.memory_space<vmem>> -> memref<128x128xf32, #tpu.memory_space<vmem>>
      tpu.enqueue_dma source(%dma_start3A_416 : memref<128x128xf32, #tpu.memory_space<vmem>>) target(%dma_start3A_412 : memref<128x128xf32, #tpu.memory_space<hbm>>) target_semaphore(%dma_start3A_406 : memref<!tpu.dma_semaphore, #tpu.memory_space<semaphore_mem>>)
      %add3A_417 = arith.constant 7 : i32
      %add3A_418 = arith.addi %add3A_377, %add3A_417 : i32
      %lt3A_419 = arith.constant 50 : i32
      %lt3A_420 = arith.cmpi slt, %add3A_418, %lt3A_419 : i32
      %convert_element_type3A_421 = arith.extui %lt3A_420 : i1 to i32
      %cond3A_422 = arith.constant 0 : i32
      %cond3A_423 = arith.cmpi ne, %convert_element_type3A_421, %cond3A_422 : i32
      scf.if %cond3A_423 {
        %dma_wait3A_674 = arith.constant 1 : i32
        %dma_wait3A_675 = arith.constant 0 : i32
        %dma_wait3A_676 = arith.constant 1 : i32
        %dma_wait3A_677 = arith.constant 0 : i32
        %dma_wait3A_678 = arith.constant 0 : i32
        %dma_wait3A_679 = tpu.memref_slice %arg6[%dma_wait3A_674, %dma_wait3A_677, %dma_wait3A_678] : memref<7x128x128xf32, #tpu.memory_space<vmem>> -> memref<1x128x128xf32, #tpu.memory_space<vmem>>
        %dma_wait3A_680 = tpu.memref_squeeze %dma_wait3A_679 : memref<1x128x128xf32, #tpu.memory_space<vmem>> -> memref<128x128xf32, #tpu.memory_space<vmem>>
        %dma_wait3A_681 = arith.constant 0 : i32
        %dma_wait3A_682 = arith.constant 0 : i32
        %dma_wait3A_683 = tpu.memref_slice %arg4[%dma_wait3A_675, %dma_wait3A_681, %dma_wait3A_682] : memref<50x4096x128xf32, #tpu.memory_space<hbm>> -> memref<1x4096x128xf32, #tpu.memory_space<hbm>>
        %dma_wait3A_684 = tpu.memref_squeeze %dma_wait3A_683 : memref<1x4096x128xf32, #tpu.memory_space<hbm>> -> memref<4096x128xf32, #tpu.memory_space<hbm>>
        %dma_wait3A_685 = arith.constant 0 : i32
        %dma_wait3A_686 = tpu.memref_slice %dma_wait3A_684[%mul3A_2, %dma_wait3A_685] : memref<4096x128xf32, #tpu.memory_space<hbm>> -> memref<128x128xf32, #tpu.memory_space<hbm>>
        %dma_wait3A_687 = tpu.memref_slice %arg8[%dma_wait3A_676] : memref<7x!tpu.dma_semaphore, #tpu.memory_space<semaphore_mem>> -> memref<1x!tpu.dma_semaphore, #tpu.memory_space<semaphore_mem>>
        %dma_wait3A_688 = tpu.memref_squeeze %dma_wait3A_687 : memref<1x!tpu.dma_semaphore, #tpu.memory_space<semaphore_mem>> -> memref<!tpu.dma_semaphore, #tpu.memory_space<semaphore_mem>>
        %dma_wait3A_689 = arith.constant 0 : i32
        %dma_wait3A_690 = arith.constant 0 : i32
        %dma_wait3A_691 = tpu.memref_slice %arg4[%dma_wait3A_675, %dma_wait3A_689, %dma_wait3A_690] : memref<50x4096x128xf32, #tpu.memory_space<hbm>> -> memref<1x4096x128xf32, #tpu.memory_space<hbm>>
        %dma_wait3A_692 = tpu.memref_squeeze %dma_wait3A_691 : memref<1x4096x128xf32, #tpu.memory_space<hbm>> -> memref<4096x128xf32, #tpu.memory_space<hbm>>
        %dma_wait3A_693 = arith.constant 0 : i32
        %dma_wait3A_694 = tpu.memref_slice %dma_wait3A_692[%mul3A_2, %dma_wait3A_693] : memref<4096x128xf32, #tpu.memory_space<hbm>> -> memref<128x128xf32, #tpu.memory_space<hbm>>
        %dma_wait3A_695 = arith.constant 0 : i32
        %dma_wait3A_696 = arith.constant 0 : i32
        %dma_wait3A_697 = tpu.memref_slice %arg6[%dma_wait3A_674, %dma_wait3A_695, %dma_wait3A_696] : memref<7x128x128xf32, #tpu.memory_space<vmem>> -> memref<1x128x128xf32, #tpu.memory_space<vmem>>
        %dma_wait3A_698 = tpu.memref_squeeze %dma_wait3A_697 : memref<1x128x128xf32, #tpu.memory_space<vmem>> -> memref<128x128xf32, #tpu.memory_space<vmem>>
        tpu.wait_dma2 semaphore(%dma_wait3A_688 : memref<!tpu.dma_semaphore, #tpu.memory_space<semaphore_mem>>) src(%dma_wait3A_698 : memref<128x128xf32, #tpu.memory_space<vmem>>) dst(%dma_wait3A_694 : memref<128x128xf32, #tpu.memory_space<hbm>>)
        %add3A_699 = arith.constant 7 : i32
        %add3A_700 = arith.addi %add3A_377, %add3A_699 : i32
        %dma_start3A_701 = arith.constant 1 : i32
        %dma_start3A_702 = arith.constant 1 : i32
        %dma_start3A_703 = arith.constant 0 : i32
        %dma_start3A_704 = arith.constant 0 : i32
        %dma_start3A_705 = tpu.memref_slice %arg6[%dma_start3A_701, %dma_start3A_703, %dma_start3A_704] : memref<7x128x128xf32, #tpu.memory_space<vmem>> -> memref<1x128x128xf32, #tpu.memory_space<vmem>>
        %dma_start3A_706 = tpu.memref_squeeze %dma_start3A_705 : memref<1x128x128xf32, #tpu.memory_space<vmem>> -> memref<128x128xf32, #tpu.memory_space<vmem>>
        %dma_start3A_707 = arith.constant 0 : i32
        %dma_start3A_708 = tpu.memref_slice %arg5[%add3A_700, %dma_start3A_707] : memref<50x128xi32, #tpu.memory_space<vmem>> -> memref<1x128xi32, #tpu.memory_space<vmem>>
        %dma_start3A_709 = tpu.memref_squeeze %dma_start3A_708 : memref<1x128xi32, #tpu.memory_space<vmem>> -> memref<128xi32, #tpu.memory_space<vmem>>
        %dma_start3A_710 = arith.constant 0 : i32
        %dma_start3A_711 = arith.constant 0 : i32
        %dma_start3A_712 = tpu.memref_slice %arg3[%dma_start3A_710, %dma_start3A_711] : memref<100000x128xf32, #tpu.memory_space<hbm>> -> memref<100000x128xf32, #tpu.memory_space<hbm>>
        %dma_start3A_713 = tpu.memref_slice %arg7[%dma_start3A_702] : memref<7x!tpu.dma_semaphore, #tpu.memory_space<semaphore_mem>> -> memref<1x!tpu.dma_semaphore, #tpu.memory_space<semaphore_mem>>
        %dma_start3A_714 = tpu.memref_squeeze %dma_start3A_713 : memref<1x!tpu.dma_semaphore, #tpu.memory_space<semaphore_mem>> -> memref<!tpu.dma_semaphore, #tpu.memory_space<semaphore_mem>>
        tpu.enqueue_indirect_dma source(%dma_start3A_712 : memref<100000x128xf32, #tpu.memory_space<hbm>>) target(%dma_start3A_706 : memref<128x128xf32, #tpu.memory_space<vmem>>) offsets(%dma_start3A_709 : memref<128xi32, #tpu.memory_space<vmem>>) semaphore(%dma_start3A_714 : memref<!tpu.dma_semaphore, #tpu.memory_space<semaphore_mem>>)
      } else {
      }
      %mul3A_424 = arith.constant 7 : i32
      %mul3A_425 = arith.muli %scan3A_326, %mul3A_424 : i32
      %add3A_426 = arith.constant 2 : i32
      %add3A_427 = arith.addi %mul3A_425, %add3A_426 : i32
      %dma_wait3A_428 = arith.constant 0 : i32
      %dma_wait3A_429 = arith.constant 2 : i32
      %dma_wait3A_430 = arith.constant 2 : i32
      %dma_wait3A_431 = arith.constant 0 : i32
      %dma_wait3A_432 = arith.constant 0 : i32
      %dma_wait3A_433 = tpu.memref_slice %arg6[%dma_wait3A_429, %dma_wait3A_431, %dma_wait3A_432] : memref<7x128x128xf32, #tpu.memory_space<vmem>> -> memref<1x128x128xf32, #tpu.memory_space<vmem>>
      %dma_wait3A_434 = tpu.memref_squeeze %dma_wait3A_433 : memref<1x128x128xf32, #tpu.memory_space<vmem>> -> memref<128x128xf32, #tpu.memory_space<vmem>>
      %dma_wait3A_435 = arith.constant 0 : i32
      %dma_wait3A_436 = tpu.memref_slice %arg5[%dma_wait3A_428, %dma_wait3A_435] : memref<50x128xi32, #tpu.memory_space<vmem>> -> memref<1x128xi32, #tpu.memory_space<vmem>>
      %dma_wait3A_437 = tpu.memref_squeeze %dma_wait3A_436 : memref<1x128xi32, #tpu.memory_space<vmem>> -> memref<128xi32, #tpu.memory_space<vmem>>
      %dma_wait3A_438 = arith.constant 0 : i32
      %dma_wait3A_439 = arith.constant 0 : i32
      %dma_wait3A_440 = tpu.memref_slice %arg3[%dma_wait3A_438, %dma_wait3A_439] : memref<100000x128xf32, #tpu.memory_space<hbm>> -> memref<100000x128xf32, #tpu.memory_space<hbm>>
      %dma_wait3A_441 = tpu.memref_slice %arg7[%dma_wait3A_430] : memref<7x!tpu.dma_semaphore, #tpu.memory_space<semaphore_mem>> -> memref<1x!tpu.dma_semaphore, #tpu.memory_space<semaphore_mem>>
      %dma_wait3A_442 = tpu.memref_squeeze %dma_wait3A_441 : memref<1x!tpu.dma_semaphore, #tpu.memory_space<semaphore_mem>> -> memref<!tpu.dma_semaphore, #tpu.memory_space<semaphore_mem>>
      tpu.wait_indirect_dma semaphore(%dma_wait3A_442 : memref<!tpu.dma_semaphore, #tpu.memory_space<semaphore_mem>>) src(%dma_wait3A_440 : memref<100000x128xf32, #tpu.memory_space<hbm>>) dst(%dma_wait3A_434 : memref<128x128xf32, #tpu.memory_space<vmem>>)
      %dma_start3A_443 = arith.constant 2 : i32
      %dma_start3A_444 = arith.constant 2 : i32
      %dma_start3A_445 = arith.constant 0 : i32
      %dma_start3A_446 = arith.constant 0 : i32
      %dma_start3A_447 = tpu.memref_slice %arg6[%dma_start3A_443, %dma_start3A_445, %dma_start3A_446] : memref<7x128x128xf32, #tpu.memory_space<vmem>> -> memref<1x128x128xf32, #tpu.memory_space<vmem>>
      %dma_start3A_448 = tpu.memref_squeeze %dma_start3A_447 : memref<1x128x128xf32, #tpu.memory_space<vmem>> -> memref<128x128xf32, #tpu.memory_space<vmem>>
      %dma_start3A_449 = arith.constant 0 : i32
      %dma_start3A_450 = arith.constant 0 : i32
      %dma_start3A_451 = tpu.memref_slice %arg4[%add3A_427, %dma_start3A_449, %dma_start3A_450] : memref<50x4096x128xf32, #tpu.memory_space<hbm>> -> memref<1x4096x128xf32, #tpu.memory_space<hbm>>
      %dma_start3A_452 = tpu.memref_squeeze %dma_start3A_451 : memref<1x4096x128xf32, #tpu.memory_space<hbm>> -> memref<4096x128xf32, #tpu.memory_space<hbm>>
      %dma_start3A_453 = arith.constant 0 : i32
      %dma_start3A_454 = tpu.memref_slice %dma_start3A_452[%mul3A_2, %dma_start3A_453] : memref<4096x128xf32, #tpu.memory_space<hbm>> -> memref<128x128xf32, #tpu.memory_space<hbm>>
      %dma_start3A_455 = tpu.memref_slice %arg8[%dma_start3A_444] : memref<7x!tpu.dma_semaphore, #tpu.memory_space<semaphore_mem>> -> memref<1x!tpu.dma_semaphore, #tpu.memory_space<semaphore_mem>>
      %dma_start3A_456 = tpu.memref_squeeze %dma_start3A_455 : memref<1x!tpu.dma_semaphore, #tpu.memory_space<semaphore_mem>> -> memref<!tpu.dma_semaphore, #tpu.memory_space<semaphore_mem>>
      %dma_start3A_457 = arith.constant 0 : i32
      %dma_start3A_458 = arith.constant 0 : i32
      %dma_start3A_459 = tpu.memref_slice %arg4[%add3A_427, %dma_start3A_457, %dma_start3A_458] : memref<50x4096x128xf32, #tpu.memory_space<hbm>> -> memref<1x4096x128xf32, #tpu.memory_space<hbm>>
      %dma_start3A_460 = tpu.memref_squeeze %dma_start3A_459 : memref<1x4096x128xf32, #tpu.memory_space<hbm>> -> memref<4096x128xf32, #tpu.memory_space<hbm>>
      %dma_start3A_461 = arith.constant 0 : i32
      %dma_start3A_462 = tpu.memref_slice %dma_start3A_460[%mul3A_2, %dma_start3A_461] : memref<4096x128xf32, #tpu.memory_space<hbm>> -> memref<128x128xf32, #tpu.memory_space<hbm>>
      %dma_start3A_463 = arith.constant 0 : i32
      %dma_start3A_464 = arith.constant 0 : i32
      %dma_start3A_465 = tpu.memref_slice %arg6[%dma_start3A_443, %dma_start3A_463, %dma_start3A_464] : memref<7x128x128xf32, #tpu.memory_space<vmem>> -> memref<1x128x128xf32, #tpu.memory_space<vmem>>
      %dma_start3A_466 = tpu.memref_squeeze %dma_start3A_465 : memref<1x128x128xf32, #tpu.memory_space<vmem>> -> memref<128x128xf32, #tpu.memory_space<vmem>>
      tpu.enqueue_dma source(%dma_start3A_466 : memref<128x128xf32, #tpu.memory_space<vmem>>) target(%dma_start3A_462 : memref<128x128xf32, #tpu.memory_space<hbm>>) target_semaphore(%dma_start3A_456 : memref<!tpu.dma_semaphore, #tpu.memory_space<semaphore_mem>>)
      %add3A_467 = arith.constant 7 : i32
      %add3A_468 = arith.addi %add3A_427, %add3A_467 : i32
      %lt3A_469 = arith.constant 50 : i32
      %lt3A_470 = arith.cmpi slt, %add3A_468, %lt3A_469 : i32
      %convert_element_type3A_471 = arith.extui %lt3A_470 : i1 to i32
      %cond3A_472 = arith.constant 0 : i32
      %cond3A_473 = arith.cmpi ne, %convert_element_type3A_471, %cond3A_472 : i32
      scf.if %cond3A_473 {
        %dma_wait3A_674 = arith.constant 2 : i32
        %dma_wait3A_675 = arith.constant 0 : i32
        %dma_wait3A_676 = arith.constant 2 : i32
        %dma_wait3A_677 = arith.constant 0 : i32
        %dma_wait3A_678 = arith.constant 0 : i32
        %dma_wait3A_679 = tpu.memref_slice %arg6[%dma_wait3A_674, %dma_wait3A_677, %dma_wait3A_678] : memref<7x128x128xf32, #tpu.memory_space<vmem>> -> memref<1x128x128xf32, #tpu.memory_space<vmem>>
        %dma_wait3A_680 = tpu.memref_squeeze %dma_wait3A_679 : memref<1x128x128xf32, #tpu.memory_space<vmem>> -> memref<128x128xf32, #tpu.memory_space<vmem>>
        %dma_wait3A_681 = arith.constant 0 : i32
        %dma_wait3A_682 = arith.constant 0 : i32
        %dma_wait3A_683 = tpu.memref_slice %arg4[%dma_wait3A_675, %dma_wait3A_681, %dma_wait3A_682] : memref<50x4096x128xf32, #tpu.memory_space<hbm>> -> memref<1x4096x128xf32, #tpu.memory_space<hbm>>
        %dma_wait3A_684 = tpu.memref_squeeze %dma_wait3A_683 : memref<1x4096x128xf32, #tpu.memory_space<hbm>> -> memref<4096x128xf32, #tpu.memory_space<hbm>>
        %dma_wait3A_685 = arith.constant 0 : i32
        %dma_wait3A_686 = tpu.memref_slice %dma_wait3A_684[%mul3A_2, %dma_wait3A_685] : memref<4096x128xf32, #tpu.memory_space<hbm>> -> memref<128x128xf32, #tpu.memory_space<hbm>>
        %dma_wait3A_687 = tpu.memref_slice %arg8[%dma_wait3A_676] : memref<7x!tpu.dma_semaphore, #tpu.memory_space<semaphore_mem>> -> memref<1x!tpu.dma_semaphore, #tpu.memory_space<semaphore_mem>>
        %dma_wait3A_688 = tpu.memref_squeeze %dma_wait3A_687 : memref<1x!tpu.dma_semaphore, #tpu.memory_space<semaphore_mem>> -> memref<!tpu.dma_semaphore, #tpu.memory_space<semaphore_mem>>
        %dma_wait3A_689 = arith.constant 0 : i32
        %dma_wait3A_690 = arith.constant 0 : i32
        %dma_wait3A_691 = tpu.memref_slice %arg4[%dma_wait3A_675, %dma_wait3A_689, %dma_wait3A_690] : memref<50x4096x128xf32, #tpu.memory_space<hbm>> -> memref<1x4096x128xf32, #tpu.memory_space<hbm>>
        %dma_wait3A_692 = tpu.memref_squeeze %dma_wait3A_691 : memref<1x4096x128xf32, #tpu.memory_space<hbm>> -> memref<4096x128xf32, #tpu.memory_space<hbm>>
        %dma_wait3A_693 = arith.constant 0 : i32
        %dma_wait3A_694 = tpu.memref_slice %dma_wait3A_692[%mul3A_2, %dma_wait3A_693] : memref<4096x128xf32, #tpu.memory_space<hbm>> -> memref<128x128xf32, #tpu.memory_space<hbm>>
        %dma_wait3A_695 = arith.constant 0 : i32
        %dma_wait3A_696 = arith.constant 0 : i32
        %dma_wait3A_697 = tpu.memref_slice %arg6[%dma_wait3A_674, %dma_wait3A_695, %dma_wait3A_696] : memref<7x128x128xf32, #tpu.memory_space<vmem>> -> memref<1x128x128xf32, #tpu.memory_space<vmem>>
        %dma_wait3A_698 = tpu.memref_squeeze %dma_wait3A_697 : memref<1x128x128xf32, #tpu.memory_space<vmem>> -> memref<128x128xf32, #tpu.memory_space<vmem>>
        tpu.wait_dma2 semaphore(%dma_wait3A_688 : memref<!tpu.dma_semaphore, #tpu.memory_space<semaphore_mem>>) src(%dma_wait3A_698 : memref<128x128xf32, #tpu.memory_space<vmem>>) dst(%dma_wait3A_694 : memref<128x128xf32, #tpu.memory_space<hbm>>)
        %add3A_699 = arith.constant 7 : i32
        %add3A_700 = arith.addi %add3A_427, %add3A_699 : i32
        %dma_start3A_701 = arith.constant 2 : i32
        %dma_start3A_702 = arith.constant 2 : i32
        %dma_start3A_703 = arith.constant 0 : i32
        %dma_start3A_704 = arith.constant 0 : i32
        %dma_start3A_705 = tpu.memref_slice %arg6[%dma_start3A_701, %dma_start3A_703, %dma_start3A_704] : memref<7x128x128xf32, #tpu.memory_space<vmem>> -> memref<1x128x128xf32, #tpu.memory_space<vmem>>
        %dma_start3A_706 = tpu.memref_squeeze %dma_start3A_705 : memref<1x128x128xf32, #tpu.memory_space<vmem>> -> memref<128x128xf32, #tpu.memory_space<vmem>>
        %dma_start3A_707 = arith.constant 0 : i32
        %dma_start3A_708 = tpu.memref_slice %arg5[%add3A_700, %dma_start3A_707] : memref<50x128xi32, #tpu.memory_space<vmem>> -> memref<1x128xi32, #tpu.memory_space<vmem>>
        %dma_start3A_709 = tpu.memref_squeeze %dma_start3A_708 : memref<1x128xi32, #tpu.memory_space<vmem>> -> memref<128xi32, #tpu.memory_space<vmem>>
        %dma_start3A_710 = arith.constant 0 : i32
        %dma_start3A_711 = arith.constant 0 : i32
        %dma_start3A_712 = tpu.memref_slice %arg3[%dma_start3A_710, %dma_start3A_711] : memref<100000x128xf32, #tpu.memory_space<hbm>> -> memref<100000x128xf32, #tpu.memory_space<hbm>>
        %dma_start3A_713 = tpu.memref_slice %arg7[%dma_start3A_702] : memref<7x!tpu.dma_semaphore, #tpu.memory_space<semaphore_mem>> -> memref<1x!tpu.dma_semaphore, #tpu.memory_space<semaphore_mem>>
        %dma_start3A_714 = tpu.memref_squeeze %dma_start3A_713 : memref<1x!tpu.dma_semaphore, #tpu.memory_space<semaphore_mem>> -> memref<!tpu.dma_semaphore, #tpu.memory_space<semaphore_mem>>
        tpu.enqueue_indirect_dma source(%dma_start3A_712 : memref<100000x128xf32, #tpu.memory_space<hbm>>) target(%dma_start3A_706 : memref<128x128xf32, #tpu.memory_space<vmem>>) offsets(%dma_start3A_709 : memref<128xi32, #tpu.memory_space<vmem>>) semaphore(%dma_start3A_714 : memref<!tpu.dma_semaphore, #tpu.memory_space<semaphore_mem>>)
      } else {
      }
      %mul3A_474 = arith.constant 7 : i32
      %mul3A_475 = arith.muli %scan3A_326, %mul3A_474 : i32
      %add3A_476 = arith.constant 3 : i32
      %add3A_477 = arith.addi %mul3A_475, %add3A_476 : i32
      %dma_wait3A_478 = arith.constant 0 : i32
      %dma_wait3A_479 = arith.constant 3 : i32
      %dma_wait3A_480 = arith.constant 3 : i32
      %dma_wait3A_481 = arith.constant 0 : i32
      %dma_wait3A_482 = arith.constant 0 : i32
      %dma_wait3A_483 = tpu.memref_slice %arg6[%dma_wait3A_479, %dma_wait3A_481, %dma_wait3A_482] : memref<7x128x128xf32, #tpu.memory_space<vmem>> -> memref<1x128x128xf32, #tpu.memory_space<vmem>>
      %dma_wait3A_484 = tpu.memref_squeeze %dma_wait3A_483 : memref<1x128x128xf32, #tpu.memory_space<vmem>> -> memref<128x128xf32, #tpu.memory_space<vmem>>
      %dma_wait3A_485 = arith.constant 0 : i32
      %dma_wait3A_486 = tpu.memref_slice %arg5[%dma_wait3A_478, %dma_wait3A_485] : memref<50x128xi32, #tpu.memory_space<vmem>> -> memref<1x128xi32, #tpu.memory_space<vmem>>
      %dma_wait3A_487 = tpu.memref_squeeze %dma_wait3A_486 : memref<1x128xi32, #tpu.memory_space<vmem>> -> memref<128xi32, #tpu.memory_space<vmem>>
      %dma_wait3A_488 = arith.constant 0 : i32
      %dma_wait3A_489 = arith.constant 0 : i32
      %dma_wait3A_490 = tpu.memref_slice %arg3[%dma_wait3A_488, %dma_wait3A_489] : memref<100000x128xf32, #tpu.memory_space<hbm>> -> memref<100000x128xf32, #tpu.memory_space<hbm>>
      %dma_wait3A_491 = tpu.memref_slice %arg7[%dma_wait3A_480] : memref<7x!tpu.dma_semaphore, #tpu.memory_space<semaphore_mem>> -> memref<1x!tpu.dma_semaphore, #tpu.memory_space<semaphore_mem>>
      %dma_wait3A_492 = tpu.memref_squeeze %dma_wait3A_491 : memref<1x!tpu.dma_semaphore, #tpu.memory_space<semaphore_mem>> -> memref<!tpu.dma_semaphore, #tpu.memory_space<semaphore_mem>>
      tpu.wait_indirect_dma semaphore(%dma_wait3A_492 : memref<!tpu.dma_semaphore, #tpu.memory_space<semaphore_mem>>) src(%dma_wait3A_490 : memref<100000x128xf32, #tpu.memory_space<hbm>>) dst(%dma_wait3A_484 : memref<128x128xf32, #tpu.memory_space<vmem>>)
      %dma_start3A_493 = arith.constant 3 : i32
      %dma_start3A_494 = arith.constant 3 : i32
      %dma_start3A_495 = arith.constant 0 : i32
      %dma_start3A_496 = arith.constant 0 : i32
      %dma_start3A_497 = tpu.memref_slice %arg6[%dma_start3A_493, %dma_start3A_495, %dma_start3A_496] : memref<7x128x128xf32, #tpu.memory_space<vmem>> -> memref<1x128x128xf32, #tpu.memory_space<vmem>>
      %dma_start3A_498 = tpu.memref_squeeze %dma_start3A_497 : memref<1x128x128xf32, #tpu.memory_space<vmem>> -> memref<128x128xf32, #tpu.memory_space<vmem>>
      %dma_start3A_499 = arith.constant 0 : i32
      %dma_start3A_500 = arith.constant 0 : i32
      %dma_start3A_501 = tpu.memref_slice %arg4[%add3A_477, %dma_start3A_499, %dma_start3A_500] : memref<50x4096x128xf32, #tpu.memory_space<hbm>> -> memref<1x4096x128xf32, #tpu.memory_space<hbm>>
      %dma_start3A_502 = tpu.memref_squeeze %dma_start3A_501 : memref<1x4096x128xf32, #tpu.memory_space<hbm>> -> memref<4096x128xf32, #tpu.memory_space<hbm>>
      %dma_start3A_503 = arith.constant 0 : i32
      %dma_start3A_504 = tpu.memref_slice %dma_start3A_502[%mul3A_2, %dma_start3A_503] : memref<4096x128xf32, #tpu.memory_space<hbm>> -> memref<128x128xf32, #tpu.memory_space<hbm>>
      %dma_start3A_505 = tpu.memref_slice %arg8[%dma_start3A_494] : memref<7x!tpu.dma_semaphore, #tpu.memory_space<semaphore_mem>> -> memref<1x!tpu.dma_semaphore, #tpu.memory_space<semaphore_mem>>
      %dma_start3A_506 = tpu.memref_squeeze %dma_start3A_505 : memref<1x!tpu.dma_semaphore, #tpu.memory_space<semaphore_mem>> -> memref<!tpu.dma_semaphore, #tpu.memory_space<semaphore_mem>>
      %dma_start3A_507 = arith.constant 0 : i32
      %dma_start3A_508 = arith.constant 0 : i32
      %dma_start3A_509 = tpu.memref_slice %arg4[%add3A_477, %dma_start3A_507, %dma_start3A_508] : memref<50x4096x128xf32, #tpu.memory_space<hbm>> -> memref<1x4096x128xf32, #tpu.memory_space<hbm>>
      %dma_start3A_510 = tpu.memref_squeeze %dma_start3A_509 : memref<1x4096x128xf32, #tpu.memory_space<hbm>> -> memref<4096x128xf32, #tpu.memory_space<hbm>>
      %dma_start3A_511 = arith.constant 0 : i32
      %dma_start3A_512 = tpu.memref_slice %dma_start3A_510[%mul3A_2, %dma_start3A_511] : memref<4096x128xf32, #tpu.memory_space<hbm>> -> memref<128x128xf32, #tpu.memory_space<hbm>>
      %dma_start3A_513 = arith.constant 0 : i32
      %dma_start3A_514 = arith.constant 0 : i32
      %dma_start3A_515 = tpu.memref_slice %arg6[%dma_start3A_493, %dma_start3A_513, %dma_start3A_514] : memref<7x128x128xf32, #tpu.memory_space<vmem>> -> memref<1x128x128xf32, #tpu.memory_space<vmem>>
      %dma_start3A_516 = tpu.memref_squeeze %dma_start3A_515 : memref<1x128x128xf32, #tpu.memory_space<vmem>> -> memref<128x128xf32, #tpu.memory_space<vmem>>
      tpu.enqueue_dma source(%dma_start3A_516 : memref<128x128xf32, #tpu.memory_space<vmem>>) target(%dma_start3A_512 : memref<128x128xf32, #tpu.memory_space<hbm>>) target_semaphore(%dma_start3A_506 : memref<!tpu.dma_semaphore, #tpu.memory_space<semaphore_mem>>)
      %add3A_517 = arith.constant 7 : i32
      %add3A_518 = arith.addi %add3A_477, %add3A_517 : i32
      %lt3A_519 = arith.constant 50 : i32
      %lt3A_520 = arith.cmpi slt, %add3A_518, %lt3A_519 : i32
      %convert_element_type3A_521 = arith.extui %lt3A_520 : i1 to i32
      %cond3A_522 = arith.constant 0 : i32
      %cond3A_523 = arith.cmpi ne, %convert_element_type3A_521, %cond3A_522 : i32
      scf.if %cond3A_523 {
        %dma_wait3A_674 = arith.constant 3 : i32
        %dma_wait3A_675 = arith.constant 0 : i32
        %dma_wait3A_676 = arith.constant 3 : i32
        %dma_wait3A_677 = arith.constant 0 : i32
        %dma_wait3A_678 = arith.constant 0 : i32
        %dma_wait3A_679 = tpu.memref_slice %arg6[%dma_wait3A_674, %dma_wait3A_677, %dma_wait3A_678] : memref<7x128x128xf32, #tpu.memory_space<vmem>> -> memref<1x128x128xf32, #tpu.memory_space<vmem>>
        %dma_wait3A_680 = tpu.memref_squeeze %dma_wait3A_679 : memref<1x128x128xf32, #tpu.memory_space<vmem>> -> memref<128x128xf32, #tpu.memory_space<vmem>>
        %dma_wait3A_681 = arith.constant 0 : i32
        %dma_wait3A_682 = arith.constant 0 : i32
        %dma_wait3A_683 = tpu.memref_slice %arg4[%dma_wait3A_675, %dma_wait3A_681, %dma_wait3A_682] : memref<50x4096x128xf32, #tpu.memory_space<hbm>> -> memref<1x4096x128xf32, #tpu.memory_space<hbm>>
        %dma_wait3A_684 = tpu.memref_squeeze %dma_wait3A_683 : memref<1x4096x128xf32, #tpu.memory_space<hbm>> -> memref<4096x128xf32, #tpu.memory_space<hbm>>
        %dma_wait3A_685 = arith.constant 0 : i32
        %dma_wait3A_686 = tpu.memref_slice %dma_wait3A_684[%mul3A_2, %dma_wait3A_685] : memref<4096x128xf32, #tpu.memory_space<hbm>> -> memref<128x128xf32, #tpu.memory_space<hbm>>
        %dma_wait3A_687 = tpu.memref_slice %arg8[%dma_wait3A_676] : memref<7x!tpu.dma_semaphore, #tpu.memory_space<semaphore_mem>> -> memref<1x!tpu.dma_semaphore, #tpu.memory_space<semaphore_mem>>
        %dma_wait3A_688 = tpu.memref_squeeze %dma_wait3A_687 : memref<1x!tpu.dma_semaphore, #tpu.memory_space<semaphore_mem>> -> memref<!tpu.dma_semaphore, #tpu.memory_space<semaphore_mem>>
        %dma_wait3A_689 = arith.constant 0 : i32
        %dma_wait3A_690 = arith.constant 0 : i32
        %dma_wait3A_691 = tpu.memref_slice %arg4[%dma_wait3A_675, %dma_wait3A_689, %dma_wait3A_690] : memref<50x4096x128xf32, #tpu.memory_space<hbm>> -> memref<1x4096x128xf32, #tpu.memory_space<hbm>>
        %dma_wait3A_692 = tpu.memref_squeeze %dma_wait3A_691 : memref<1x4096x128xf32, #tpu.memory_space<hbm>> -> memref<4096x128xf32, #tpu.memory_space<hbm>>
        %dma_wait3A_693 = arith.constant 0 : i32
        %dma_wait3A_694 = tpu.memref_slice %dma_wait3A_692[%mul3A_2, %dma_wait3A_693] : memref<4096x128xf32, #tpu.memory_space<hbm>> -> memref<128x128xf32, #tpu.memory_space<hbm>>
        %dma_wait3A_695 = arith.constant 0 : i32
        %dma_wait3A_696 = arith.constant 0 : i32
        %dma_wait3A_697 = tpu.memref_slice %arg6[%dma_wait3A_674, %dma_wait3A_695, %dma_wait3A_696] : memref<7x128x128xf32, #tpu.memory_space<vmem>> -> memref<1x128x128xf32, #tpu.memory_space<vmem>>
        %dma_wait3A_698 = tpu.memref_squeeze %dma_wait3A_697 : memref<1x128x128xf32, #tpu.memory_space<vmem>> -> memref<128x128xf32, #tpu.memory_space<vmem>>
        tpu.wait_dma2 semaphore(%dma_wait3A_688 : memref<!tpu.dma_semaphore, #tpu.memory_space<semaphore_mem>>) src(%dma_wait3A_698 : memref<128x128xf32, #tpu.memory_space<vmem>>) dst(%dma_wait3A_694 : memref<128x128xf32, #tpu.memory_space<hbm>>)
        %add3A_699 = arith.constant 7 : i32
        %add3A_700 = arith.addi %add3A_477, %add3A_699 : i32
        %dma_start3A_701 = arith.constant 3 : i32
        %dma_start3A_702 = arith.constant 3 : i32
        %dma_start3A_703 = arith.constant 0 : i32
        %dma_start3A_704 = arith.constant 0 : i32
        %dma_start3A_705 = tpu.memref_slice %arg6[%dma_start3A_701, %dma_start3A_703, %dma_start3A_704] : memref<7x128x128xf32, #tpu.memory_space<vmem>> -> memref<1x128x128xf32, #tpu.memory_space<vmem>>
        %dma_start3A_706 = tpu.memref_squeeze %dma_start3A_705 : memref<1x128x128xf32, #tpu.memory_space<vmem>> -> memref<128x128xf32, #tpu.memory_space<vmem>>
        %dma_start3A_707 = arith.constant 0 : i32
        %dma_start3A_708 = tpu.memref_slice %arg5[%add3A_700, %dma_start3A_707] : memref<50x128xi32, #tpu.memory_space<vmem>> -> memref<1x128xi32, #tpu.memory_space<vmem>>
        %dma_start3A_709 = tpu.memref_squeeze %dma_start3A_708 : memref<1x128xi32, #tpu.memory_space<vmem>> -> memref<128xi32, #tpu.memory_space<vmem>>
        %dma_start3A_710 = arith.constant 0 : i32
        %dma_start3A_711 = arith.constant 0 : i32
        %dma_start3A_712 = tpu.memref_slice %arg3[%dma_start3A_710, %dma_start3A_711] : memref<100000x128xf32, #tpu.memory_space<hbm>> -> memref<100000x128xf32, #tpu.memory_space<hbm>>
        %dma_start3A_713 = tpu.memref_slice %arg7[%dma_start3A_702] : memref<7x!tpu.dma_semaphore, #tpu.memory_space<semaphore_mem>> -> memref<1x!tpu.dma_semaphore, #tpu.memory_space<semaphore_mem>>
        %dma_start3A_714 = tpu.memref_squeeze %dma_start3A_713 : memref<1x!tpu.dma_semaphore, #tpu.memory_space<semaphore_mem>> -> memref<!tpu.dma_semaphore, #tpu.memory_space<semaphore_mem>>
        tpu.enqueue_indirect_dma source(%dma_start3A_712 : memref<100000x128xf32, #tpu.memory_space<hbm>>) target(%dma_start3A_706 : memref<128x128xf32, #tpu.memory_space<vmem>>) offsets(%dma_start3A_709 : memref<128xi32, #tpu.memory_space<vmem>>) semaphore(%dma_start3A_714 : memref<!tpu.dma_semaphore, #tpu.memory_space<semaphore_mem>>)
      } else {
      }
      %mul3A_524 = arith.constant 7 : i32
      %mul3A_525 = arith.muli %scan3A_326, %mul3A_524 : i32
      %add3A_526 = arith.constant 4 : i32
      %add3A_527 = arith.addi %mul3A_525, %add3A_526 : i32
      %dma_wait3A_528 = arith.constant 0 : i32
      %dma_wait3A_529 = arith.constant 4 : i32
      %dma_wait3A_530 = arith.constant 4 : i32
      %dma_wait3A_531 = arith.constant 0 : i32
      %dma_wait3A_532 = arith.constant 0 : i32
      %dma_wait3A_533 = tpu.memref_slice %arg6[%dma_wait3A_529, %dma_wait3A_531, %dma_wait3A_532] : memref<7x128x128xf32, #tpu.memory_space<vmem>> -> memref<1x128x128xf32, #tpu.memory_space<vmem>>
      %dma_wait3A_534 = tpu.memref_squeeze %dma_wait3A_533 : memref<1x128x128xf32, #tpu.memory_space<vmem>> -> memref<128x128xf32, #tpu.memory_space<vmem>>
      %dma_wait3A_535 = arith.constant 0 : i32
      %dma_wait3A_536 = tpu.memref_slice %arg5[%dma_wait3A_528, %dma_wait3A_535] : memref<50x128xi32, #tpu.memory_space<vmem>> -> memref<1x128xi32, #tpu.memory_space<vmem>>
      %dma_wait3A_537 = tpu.memref_squeeze %dma_wait3A_536 : memref<1x128xi32, #tpu.memory_space<vmem>> -> memref<128xi32, #tpu.memory_space<vmem>>
      %dma_wait3A_538 = arith.constant 0 : i32
      %dma_wait3A_539 = arith.constant 0 : i32
      %dma_wait3A_540 = tpu.memref_slice %arg3[%dma_wait3A_538, %dma_wait3A_539] : memref<100000x128xf32, #tpu.memory_space<hbm>> -> memref<100000x128xf32, #tpu.memory_space<hbm>>
      %dma_wait3A_541 = tpu.memref_slice %arg7[%dma_wait3A_530] : memref<7x!tpu.dma_semaphore, #tpu.memory_space<semaphore_mem>> -> memref<1x!tpu.dma_semaphore, #tpu.memory_space<semaphore_mem>>
      %dma_wait3A_542 = tpu.memref_squeeze %dma_wait3A_541 : memref<1x!tpu.dma_semaphore, #tpu.memory_space<semaphore_mem>> -> memref<!tpu.dma_semaphore, #tpu.memory_space<semaphore_mem>>
      tpu.wait_indirect_dma semaphore(%dma_wait3A_542 : memref<!tpu.dma_semaphore, #tpu.memory_space<semaphore_mem>>) src(%dma_wait3A_540 : memref<100000x128xf32, #tpu.memory_space<hbm>>) dst(%dma_wait3A_534 : memref<128x128xf32, #tpu.memory_space<vmem>>)
      %dma_start3A_543 = arith.constant 4 : i32
      %dma_start3A_544 = arith.constant 4 : i32
      %dma_start3A_545 = arith.constant 0 : i32
      %dma_start3A_546 = arith.constant 0 : i32
      %dma_start3A_547 = tpu.memref_slice %arg6[%dma_start3A_543, %dma_start3A_545, %dma_start3A_546] : memref<7x128x128xf32, #tpu.memory_space<vmem>> -> memref<1x128x128xf32, #tpu.memory_space<vmem>>
      %dma_start3A_548 = tpu.memref_squeeze %dma_start3A_547 : memref<1x128x128xf32, #tpu.memory_space<vmem>> -> memref<128x128xf32, #tpu.memory_space<vmem>>
      %dma_start3A_549 = arith.constant 0 : i32
      %dma_start3A_550 = arith.constant 0 : i32
      %dma_start3A_551 = tpu.memref_slice %arg4[%add3A_527, %dma_start3A_549, %dma_start3A_550] : memref<50x4096x128xf32, #tpu.memory_space<hbm>> -> memref<1x4096x128xf32, #tpu.memory_space<hbm>>
      %dma_start3A_552 = tpu.memref_squeeze %dma_start3A_551 : memref<1x4096x128xf32, #tpu.memory_space<hbm>> -> memref<4096x128xf32, #tpu.memory_space<hbm>>
      %dma_start3A_553 = arith.constant 0 : i32
      %dma_start3A_554 = tpu.memref_slice %dma_start3A_552[%mul3A_2, %dma_start3A_553] : memref<4096x128xf32, #tpu.memory_space<hbm>> -> memref<128x128xf32, #tpu.memory_space<hbm>>
      %dma_start3A_555 = tpu.memref_slice %arg8[%dma_start3A_544] : memref<7x!tpu.dma_semaphore, #tpu.memory_space<semaphore_mem>> -> memref<1x!tpu.dma_semaphore, #tpu.memory_space<semaphore_mem>>
      %dma_start3A_556 = tpu.memref_squeeze %dma_start3A_555 : memref<1x!tpu.dma_semaphore, #tpu.memory_space<semaphore_mem>> -> memref<!tpu.dma_semaphore, #tpu.memory_space<semaphore_mem>>
      %dma_start3A_557 = arith.constant 0 : i32
      %dma_start3A_558 = arith.constant 0 : i32
      %dma_start3A_559 = tpu.memref_slice %arg4[%add3A_527, %dma_start3A_557, %dma_start3A_558] : memref<50x4096x128xf32, #tpu.memory_space<hbm>> -> memref<1x4096x128xf32, #tpu.memory_space<hbm>>
      %dma_start3A_560 = tpu.memref_squeeze %dma_start3A_559 : memref<1x4096x128xf32, #tpu.memory_space<hbm>> -> memref<4096x128xf32, #tpu.memory_space<hbm>>
      %dma_start3A_561 = arith.constant 0 : i32
      %dma_start3A_562 = tpu.memref_slice %dma_start3A_560[%mul3A_2, %dma_start3A_561] : memref<4096x128xf32, #tpu.memory_space<hbm>> -> memref<128x128xf32, #tpu.memory_space<hbm>>
      %dma_start3A_563 = arith.constant 0 : i32
      %dma_start3A_564 = arith.constant 0 : i32
      %dma_start3A_565 = tpu.memref_slice %arg6[%dma_start3A_543, %dma_start3A_563, %dma_start3A_564] : memref<7x128x128xf32, #tpu.memory_space<vmem>> -> memref<1x128x128xf32, #tpu.memory_space<vmem>>
      %dma_start3A_566 = tpu.memref_squeeze %dma_start3A_565 : memref<1x128x128xf32, #tpu.memory_space<vmem>> -> memref<128x128xf32, #tpu.memory_space<vmem>>
      tpu.enqueue_dma source(%dma_start3A_566 : memref<128x128xf32, #tpu.memory_space<vmem>>) target(%dma_start3A_562 : memref<128x128xf32, #tpu.memory_space<hbm>>) target_semaphore(%dma_start3A_556 : memref<!tpu.dma_semaphore, #tpu.memory_space<semaphore_mem>>)
      %add3A_567 = arith.constant 7 : i32
      %add3A_568 = arith.addi %add3A_527, %add3A_567 : i32
      %lt3A_569 = arith.constant 50 : i32
      %lt3A_570 = arith.cmpi slt, %add3A_568, %lt3A_569 : i32
      %convert_element_type3A_571 = arith.extui %lt3A_570 : i1 to i32
      %cond3A_572 = arith.constant 0 : i32
      %cond3A_573 = arith.cmpi ne, %convert_element_type3A_571, %cond3A_572 : i32
      scf.if %cond3A_573 {
        %dma_wait3A_674 = arith.constant 4 : i32
        %dma_wait3A_675 = arith.constant 0 : i32
        %dma_wait3A_676 = arith.constant 4 : i32
        %dma_wait3A_677 = arith.constant 0 : i32
        %dma_wait3A_678 = arith.constant 0 : i32
        %dma_wait3A_679 = tpu.memref_slice %arg6[%dma_wait3A_674, %dma_wait3A_677, %dma_wait3A_678] : memref<7x128x128xf32, #tpu.memory_space<vmem>> -> memref<1x128x128xf32, #tpu.memory_space<vmem>>
        %dma_wait3A_680 = tpu.memref_squeeze %dma_wait3A_679 : memref<1x128x128xf32, #tpu.memory_space<vmem>> -> memref<128x128xf32, #tpu.memory_space<vmem>>
        %dma_wait3A_681 = arith.constant 0 : i32
        %dma_wait3A_682 = arith.constant 0 : i32
        %dma_wait3A_683 = tpu.memref_slice %arg4[%dma_wait3A_675, %dma_wait3A_681, %dma_wait3A_682] : memref<50x4096x128xf32, #tpu.memory_space<hbm>> -> memref<1x4096x128xf32, #tpu.memory_space<hbm>>
        %dma_wait3A_684 = tpu.memref_squeeze %dma_wait3A_683 : memref<1x4096x128xf32, #tpu.memory_space<hbm>> -> memref<4096x128xf32, #tpu.memory_space<hbm>>
        %dma_wait3A_685 = arith.constant 0 : i32
        %dma_wait3A_686 = tpu.memref_slice %dma_wait3A_684[%mul3A_2, %dma_wait3A_685] : memref<4096x128xf32, #tpu.memory_space<hbm>> -> memref<128x128xf32, #tpu.memory_space<hbm>>
        %dma_wait3A_687 = tpu.memref_slice %arg8[%dma_wait3A_676] : memref<7x!tpu.dma_semaphore, #tpu.memory_space<semaphore_mem>> -> memref<1x!tpu.dma_semaphore, #tpu.memory_space<semaphore_mem>>
        %dma_wait3A_688 = tpu.memref_squeeze %dma_wait3A_687 : memref<1x!tpu.dma_semaphore, #tpu.memory_space<semaphore_mem>> -> memref<!tpu.dma_semaphore, #tpu.memory_space<semaphore_mem>>
        %dma_wait3A_689 = arith.constant 0 : i32
        %dma_wait3A_690 = arith.constant 0 : i32
        %dma_wait3A_691 = tpu.memref_slice %arg4[%dma_wait3A_675, %dma_wait3A_689, %dma_wait3A_690] : memref<50x4096x128xf32, #tpu.memory_space<hbm>> -> memref<1x4096x128xf32, #tpu.memory_space<hbm>>
        %dma_wait3A_692 = tpu.memref_squeeze %dma_wait3A_691 : memref<1x4096x128xf32, #tpu.memory_space<hbm>> -> memref<4096x128xf32, #tpu.memory_space<hbm>>
        %dma_wait3A_693 = arith.constant 0 : i32
        %dma_wait3A_694 = tpu.memref_slice %dma_wait3A_692[%mul3A_2, %dma_wait3A_693] : memref<4096x128xf32, #tpu.memory_space<hbm>> -> memref<128x128xf32, #tpu.memory_space<hbm>>
        %dma_wait3A_695 = arith.constant 0 : i32
        %dma_wait3A_696 = arith.constant 0 : i32
        %dma_wait3A_697 = tpu.memref_slice %arg6[%dma_wait3A_674, %dma_wait3A_695, %dma_wait3A_696] : memref<7x128x128xf32, #tpu.memory_space<vmem>> -> memref<1x128x128xf32, #tpu.memory_space<vmem>>
        %dma_wait3A_698 = tpu.memref_squeeze %dma_wait3A_697 : memref<1x128x128xf32, #tpu.memory_space<vmem>> -> memref<128x128xf32, #tpu.memory_space<vmem>>
        tpu.wait_dma2 semaphore(%dma_wait3A_688 : memref<!tpu.dma_semaphore, #tpu.memory_space<semaphore_mem>>) src(%dma_wait3A_698 : memref<128x128xf32, #tpu.memory_space<vmem>>) dst(%dma_wait3A_694 : memref<128x128xf32, #tpu.memory_space<hbm>>)
        %add3A_699 = arith.constant 7 : i32
        %add3A_700 = arith.addi %add3A_527, %add3A_699 : i32
        %dma_start3A_701 = arith.constant 4 : i32
        %dma_start3A_702 = arith.constant 4 : i32
        %dma_start3A_703 = arith.constant 0 : i32
        %dma_start3A_704 = arith.constant 0 : i32
        %dma_start3A_705 = tpu.memref_slice %arg6[%dma_start3A_701, %dma_start3A_703, %dma_start3A_704] : memref<7x128x128xf32, #tpu.memory_space<vmem>> -> memref<1x128x128xf32, #tpu.memory_space<vmem>>
        %dma_start3A_706 = tpu.memref_squeeze %dma_start3A_705 : memref<1x128x128xf32, #tpu.memory_space<vmem>> -> memref<128x128xf32, #tpu.memory_space<vmem>>
        %dma_start3A_707 = arith.constant 0 : i32
        %dma_start3A_708 = tpu.memref_slice %arg5[%add3A_700, %dma_start3A_707] : memref<50x128xi32, #tpu.memory_space<vmem>> -> memref<1x128xi32, #tpu.memory_space<vmem>>
        %dma_start3A_709 = tpu.memref_squeeze %dma_start3A_708 : memref<1x128xi32, #tpu.memory_space<vmem>> -> memref<128xi32, #tpu.memory_space<vmem>>
        %dma_start3A_710 = arith.constant 0 : i32
        %dma_start3A_711 = arith.constant 0 : i32
        %dma_start3A_712 = tpu.memref_slice %arg3[%dma_start3A_710, %dma_start3A_711] : memref<100000x128xf32, #tpu.memory_space<hbm>> -> memref<100000x128xf32, #tpu.memory_space<hbm>>
        %dma_start3A_713 = tpu.memref_slice %arg7[%dma_start3A_702] : memref<7x!tpu.dma_semaphore, #tpu.memory_space<semaphore_mem>> -> memref<1x!tpu.dma_semaphore, #tpu.memory_space<semaphore_mem>>
        %dma_start3A_714 = tpu.memref_squeeze %dma_start3A_713 : memref<1x!tpu.dma_semaphore, #tpu.memory_space<semaphore_mem>> -> memref<!tpu.dma_semaphore, #tpu.memory_space<semaphore_mem>>
        tpu.enqueue_indirect_dma source(%dma_start3A_712 : memref<100000x128xf32, #tpu.memory_space<hbm>>) target(%dma_start3A_706 : memref<128x128xf32, #tpu.memory_space<vmem>>) offsets(%dma_start3A_709 : memref<128xi32, #tpu.memory_space<vmem>>) semaphore(%dma_start3A_714 : memref<!tpu.dma_semaphore, #tpu.memory_space<semaphore_mem>>)
      } else {
      }
      %mul3A_574 = arith.constant 7 : i32
      %mul3A_575 = arith.muli %scan3A_326, %mul3A_574 : i32
      %add3A_576 = arith.constant 5 : i32
      %add3A_577 = arith.addi %mul3A_575, %add3A_576 : i32
      %dma_wait3A_578 = arith.constant 0 : i32
      %dma_wait3A_579 = arith.constant 5 : i32
      %dma_wait3A_580 = arith.constant 5 : i32
      %dma_wait3A_581 = arith.constant 0 : i32
      %dma_wait3A_582 = arith.constant 0 : i32
      %dma_wait3A_583 = tpu.memref_slice %arg6[%dma_wait3A_579, %dma_wait3A_581, %dma_wait3A_582] : memref<7x128x128xf32, #tpu.memory_space<vmem>> -> memref<1x128x128xf32, #tpu.memory_space<vmem>>
      %dma_wait3A_584 = tpu.memref_squeeze %dma_wait3A_583 : memref<1x128x128xf32, #tpu.memory_space<vmem>> -> memref<128x128xf32, #tpu.memory_space<vmem>>
      %dma_wait3A_585 = arith.constant 0 : i32
      %dma_wait3A_586 = tpu.memref_slice %arg5[%dma_wait3A_578, %dma_wait3A_585] : memref<50x128xi32, #tpu.memory_space<vmem>> -> memref<1x128xi32, #tpu.memory_space<vmem>>
      %dma_wait3A_587 = tpu.memref_squeeze %dma_wait3A_586 : memref<1x128xi32, #tpu.memory_space<vmem>> -> memref<128xi32, #tpu.memory_space<vmem>>
      %dma_wait3A_588 = arith.constant 0 : i32
      %dma_wait3A_589 = arith.constant 0 : i32
      %dma_wait3A_590 = tpu.memref_slice %arg3[%dma_wait3A_588, %dma_wait3A_589] : memref<100000x128xf32, #tpu.memory_space<hbm>> -> memref<100000x128xf32, #tpu.memory_space<hbm>>
      %dma_wait3A_591 = tpu.memref_slice %arg7[%dma_wait3A_580] : memref<7x!tpu.dma_semaphore, #tpu.memory_space<semaphore_mem>> -> memref<1x!tpu.dma_semaphore, #tpu.memory_space<semaphore_mem>>
      %dma_wait3A_592 = tpu.memref_squeeze %dma_wait3A_591 : memref<1x!tpu.dma_semaphore, #tpu.memory_space<semaphore_mem>> -> memref<!tpu.dma_semaphore, #tpu.memory_space<semaphore_mem>>
      tpu.wait_indirect_dma semaphore(%dma_wait3A_592 : memref<!tpu.dma_semaphore, #tpu.memory_space<semaphore_mem>>) src(%dma_wait3A_590 : memref<100000x128xf32, #tpu.memory_space<hbm>>) dst(%dma_wait3A_584 : memref<128x128xf32, #tpu.memory_space<vmem>>)
      %dma_start3A_593 = arith.constant 5 : i32
      %dma_start3A_594 = arith.constant 5 : i32
      %dma_start3A_595 = arith.constant 0 : i32
      %dma_start3A_596 = arith.constant 0 : i32
      %dma_start3A_597 = tpu.memref_slice %arg6[%dma_start3A_593, %dma_start3A_595, %dma_start3A_596] : memref<7x128x128xf32, #tpu.memory_space<vmem>> -> memref<1x128x128xf32, #tpu.memory_space<vmem>>
      %dma_start3A_598 = tpu.memref_squeeze %dma_start3A_597 : memref<1x128x128xf32, #tpu.memory_space<vmem>> -> memref<128x128xf32, #tpu.memory_space<vmem>>
      %dma_start3A_599 = arith.constant 0 : i32
      %dma_start3A_600 = arith.constant 0 : i32
      %dma_start3A_601 = tpu.memref_slice %arg4[%add3A_577, %dma_start3A_599, %dma_start3A_600] : memref<50x4096x128xf32, #tpu.memory_space<hbm>> -> memref<1x4096x128xf32, #tpu.memory_space<hbm>>
      %dma_start3A_602 = tpu.memref_squeeze %dma_start3A_601 : memref<1x4096x128xf32, #tpu.memory_space<hbm>> -> memref<4096x128xf32, #tpu.memory_space<hbm>>
      %dma_start3A_603 = arith.constant 0 : i32
      %dma_start3A_604 = tpu.memref_slice %dma_start3A_602[%mul3A_2, %dma_start3A_603] : memref<4096x128xf32, #tpu.memory_space<hbm>> -> memref<128x128xf32, #tpu.memory_space<hbm>>
      %dma_start3A_605 = tpu.memref_slice %arg8[%dma_start3A_594] : memref<7x!tpu.dma_semaphore, #tpu.memory_space<semaphore_mem>> -> memref<1x!tpu.dma_semaphore, #tpu.memory_space<semaphore_mem>>
      %dma_start3A_606 = tpu.memref_squeeze %dma_start3A_605 : memref<1x!tpu.dma_semaphore, #tpu.memory_space<semaphore_mem>> -> memref<!tpu.dma_semaphore, #tpu.memory_space<semaphore_mem>>
      %dma_start3A_607 = arith.constant 0 : i32
      %dma_start3A_608 = arith.constant 0 : i32
      %dma_start3A_609 = tpu.memref_slice %arg4[%add3A_577, %dma_start3A_607, %dma_start3A_608] : memref<50x4096x128xf32, #tpu.memory_space<hbm>> -> memref<1x4096x128xf32, #tpu.memory_space<hbm>>
      %dma_start3A_610 = tpu.memref_squeeze %dma_start3A_609 : memref<1x4096x128xf32, #tpu.memory_space<hbm>> -> memref<4096x128xf32, #tpu.memory_space<hbm>>
      %dma_start3A_611 = arith.constant 0 : i32
      %dma_start3A_612 = tpu.memref_slice %dma_start3A_610[%mul3A_2, %dma_start3A_611] : memref<4096x128xf32, #tpu.memory_space<hbm>> -> memref<128x128xf32, #tpu.memory_space<hbm>>
      %dma_start3A_613 = arith.constant 0 : i32
      %dma_start3A_614 = arith.constant 0 : i32
      %dma_start3A_615 = tpu.memref_slice %arg6[%dma_start3A_593, %dma_start3A_613, %dma_start3A_614] : memref<7x128x128xf32, #tpu.memory_space<vmem>> -> memref<1x128x128xf32, #tpu.memory_space<vmem>>
      %dma_start3A_616 = tpu.memref_squeeze %dma_start3A_615 : memref<1x128x128xf32, #tpu.memory_space<vmem>> -> memref<128x128xf32, #tpu.memory_space<vmem>>
      tpu.enqueue_dma source(%dma_start3A_616 : memref<128x128xf32, #tpu.memory_space<vmem>>) target(%dma_start3A_612 : memref<128x128xf32, #tpu.memory_space<hbm>>) target_semaphore(%dma_start3A_606 : memref<!tpu.dma_semaphore, #tpu.memory_space<semaphore_mem>>)
      %add3A_617 = arith.constant 7 : i32
      %add3A_618 = arith.addi %add3A_577, %add3A_617 : i32
      %lt3A_619 = arith.constant 50 : i32
      %lt3A_620 = arith.cmpi slt, %add3A_618, %lt3A_619 : i32
      %convert_element_type3A_621 = arith.extui %lt3A_620 : i1 to i32
      %cond3A_622 = arith.constant 0 : i32
      %cond3A_623 = arith.cmpi ne, %convert_element_type3A_621, %cond3A_622 : i32
      scf.if %cond3A_623 {
        %dma_wait3A_674 = arith.constant 5 : i32
        %dma_wait3A_675 = arith.constant 0 : i32
        %dma_wait3A_676 = arith.constant 5 : i32
        %dma_wait3A_677 = arith.constant 0 : i32
        %dma_wait3A_678 = arith.constant 0 : i32
        %dma_wait3A_679 = tpu.memref_slice %arg6[%dma_wait3A_674, %dma_wait3A_677, %dma_wait3A_678] : memref<7x128x128xf32, #tpu.memory_space<vmem>> -> memref<1x128x128xf32, #tpu.memory_space<vmem>>
        %dma_wait3A_680 = tpu.memref_squeeze %dma_wait3A_679 : memref<1x128x128xf32, #tpu.memory_space<vmem>> -> memref<128x128xf32, #tpu.memory_space<vmem>>
        %dma_wait3A_681 = arith.constant 0 : i32
        %dma_wait3A_682 = arith.constant 0 : i32
        %dma_wait3A_683 = tpu.memref_slice %arg4[%dma_wait3A_675, %dma_wait3A_681, %dma_wait3A_682] : memref<50x4096x128xf32, #tpu.memory_space<hbm>> -> memref<1x4096x128xf32, #tpu.memory_space<hbm>>
        %dma_wait3A_684 = tpu.memref_squeeze %dma_wait3A_683 : memref<1x4096x128xf32, #tpu.memory_space<hbm>> -> memref<4096x128xf32, #tpu.memory_space<hbm>>
        %dma_wait3A_685 = arith.constant 0 : i32
        %dma_wait3A_686 = tpu.memref_slice %dma_wait3A_684[%mul3A_2, %dma_wait3A_685] : memref<4096x128xf32, #tpu.memory_space<hbm>> -> memref<128x128xf32, #tpu.memory_space<hbm>>
        %dma_wait3A_687 = tpu.memref_slice %arg8[%dma_wait3A_676] : memref<7x!tpu.dma_semaphore, #tpu.memory_space<semaphore_mem>> -> memref<1x!tpu.dma_semaphore, #tpu.memory_space<semaphore_mem>>
        %dma_wait3A_688 = tpu.memref_squeeze %dma_wait3A_687 : memref<1x!tpu.dma_semaphore, #tpu.memory_space<semaphore_mem>> -> memref<!tpu.dma_semaphore, #tpu.memory_space<semaphore_mem>>
        %dma_wait3A_689 = arith.constant 0 : i32
        %dma_wait3A_690 = arith.constant 0 : i32
        %dma_wait3A_691 = tpu.memref_slice %arg4[%dma_wait3A_675, %dma_wait3A_689, %dma_wait3A_690] : memref<50x4096x128xf32, #tpu.memory_space<hbm>> -> memref<1x4096x128xf32, #tpu.memory_space<hbm>>
        %dma_wait3A_692 = tpu.memref_squeeze %dma_wait3A_691 : memref<1x4096x128xf32, #tpu.memory_space<hbm>> -> memref<4096x128xf32, #tpu.memory_space<hbm>>
        %dma_wait3A_693 = arith.constant 0 : i32
        %dma_wait3A_694 = tpu.memref_slice %dma_wait3A_692[%mul3A_2, %dma_wait3A_693] : memref<4096x128xf32, #tpu.memory_space<hbm>> -> memref<128x128xf32, #tpu.memory_space<hbm>>
        %dma_wait3A_695 = arith.constant 0 : i32
        %dma_wait3A_696 = arith.constant 0 : i32
        %dma_wait3A_697 = tpu.memref_slice %arg6[%dma_wait3A_674, %dma_wait3A_695, %dma_wait3A_696] : memref<7x128x128xf32, #tpu.memory_space<vmem>> -> memref<1x128x128xf32, #tpu.memory_space<vmem>>
        %dma_wait3A_698 = tpu.memref_squeeze %dma_wait3A_697 : memref<1x128x128xf32, #tpu.memory_space<vmem>> -> memref<128x128xf32, #tpu.memory_space<vmem>>
        tpu.wait_dma2 semaphore(%dma_wait3A_688 : memref<!tpu.dma_semaphore, #tpu.memory_space<semaphore_mem>>) src(%dma_wait3A_698 : memref<128x128xf32, #tpu.memory_space<vmem>>) dst(%dma_wait3A_694 : memref<128x128xf32, #tpu.memory_space<hbm>>)
        %add3A_699 = arith.constant 7 : i32
        %add3A_700 = arith.addi %add3A_577, %add3A_699 : i32
        %dma_start3A_701 = arith.constant 5 : i32
        %dma_start3A_702 = arith.constant 5 : i32
        %dma_start3A_703 = arith.constant 0 : i32
        %dma_start3A_704 = arith.constant 0 : i32
        %dma_start3A_705 = tpu.memref_slice %arg6[%dma_start3A_701, %dma_start3A_703, %dma_start3A_704] : memref<7x128x128xf32, #tpu.memory_space<vmem>> -> memref<1x128x128xf32, #tpu.memory_space<vmem>>
        %dma_start3A_706 = tpu.memref_squeeze %dma_start3A_705 : memref<1x128x128xf32, #tpu.memory_space<vmem>> -> memref<128x128xf32, #tpu.memory_space<vmem>>
        %dma_start3A_707 = arith.constant 0 : i32
        %dma_start3A_708 = tpu.memref_slice %arg5[%add3A_700, %dma_start3A_707] : memref<50x128xi32, #tpu.memory_space<vmem>> -> memref<1x128xi32, #tpu.memory_space<vmem>>
        %dma_start3A_709 = tpu.memref_squeeze %dma_start3A_708 : memref<1x128xi32, #tpu.memory_space<vmem>> -> memref<128xi32, #tpu.memory_space<vmem>>
        %dma_start3A_710 = arith.constant 0 : i32
        %dma_start3A_711 = arith.constant 0 : i32
        %dma_start3A_712 = tpu.memref_slice %arg3[%dma_start3A_710, %dma_start3A_711] : memref<100000x128xf32, #tpu.memory_space<hbm>> -> memref<100000x128xf32, #tpu.memory_space<hbm>>
        %dma_start3A_713 = tpu.memref_slice %arg7[%dma_start3A_702] : memref<7x!tpu.dma_semaphore, #tpu.memory_space<semaphore_mem>> -> memref<1x!tpu.dma_semaphore, #tpu.memory_space<semaphore_mem>>
        %dma_start3A_714 = tpu.memref_squeeze %dma_start3A_713 : memref<1x!tpu.dma_semaphore, #tpu.memory_space<semaphore_mem>> -> memref<!tpu.dma_semaphore, #tpu.memory_space<semaphore_mem>>
        tpu.enqueue_indirect_dma source(%dma_start3A_712 : memref<100000x128xf32, #tpu.memory_space<hbm>>) target(%dma_start3A_706 : memref<128x128xf32, #tpu.memory_space<vmem>>) offsets(%dma_start3A_709 : memref<128xi32, #tpu.memory_space<vmem>>) semaphore(%dma_start3A_714 : memref<!tpu.dma_semaphore, #tpu.memory_space<semaphore_mem>>)
      } else {
      }
      %mul3A_624 = arith.constant 7 : i32
      %mul3A_625 = arith.muli %scan3A_326, %mul3A_624 : i32
      %add3A_626 = arith.constant 6 : i32
      %add3A_627 = arith.addi %mul3A_625, %add3A_626 : i32
      %dma_wait3A_628 = arith.constant 0 : i32
      %dma_wait3A_629 = arith.constant 6 : i32
      %dma_wait3A_630 = arith.constant 6 : i32
      %dma_wait3A_631 = arith.constant 0 : i32
      %dma_wait3A_632 = arith.constant 0 : i32
      %dma_wait3A_633 = tpu.memref_slice %arg6[%dma_wait3A_629, %dma_wait3A_631, %dma_wait3A_632] : memref<7x128x128xf32, #tpu.memory_space<vmem>> -> memref<1x128x128xf32, #tpu.memory_space<vmem>>
      %dma_wait3A_634 = tpu.memref_squeeze %dma_wait3A_633 : memref<1x128x128xf32, #tpu.memory_space<vmem>> -> memref<128x128xf32, #tpu.memory_space<vmem>>
      %dma_wait3A_635 = arith.constant 0 : i32
      %dma_wait3A_636 = tpu.memref_slice %arg5[%dma_wait3A_628, %dma_wait3A_635] : memref<50x128xi32, #tpu.memory_space<vmem>> -> memref<1x128xi32, #tpu.memory_space<vmem>>
      %dma_wait3A_637 = tpu.memref_squeeze %dma_wait3A_636 : memref<1x128xi32, #tpu.memory_space<vmem>> -> memref<128xi32, #tpu.memory_space<vmem>>
      %dma_wait3A_638 = arith.constant 0 : i32
      %dma_wait3A_639 = arith.constant 0 : i32
      %dma_wait3A_640 = tpu.memref_slice %arg3[%dma_wait3A_638, %dma_wait3A_639] : memref<100000x128xf32, #tpu.memory_space<hbm>> -> memref<100000x128xf32, #tpu.memory_space<hbm>>
      %dma_wait3A_641 = tpu.memref_slice %arg7[%dma_wait3A_630] : memref<7x!tpu.dma_semaphore, #tpu.memory_space<semaphore_mem>> -> memref<1x!tpu.dma_semaphore, #tpu.memory_space<semaphore_mem>>
      %dma_wait3A_642 = tpu.memref_squeeze %dma_wait3A_641 : memref<1x!tpu.dma_semaphore, #tpu.memory_space<semaphore_mem>> -> memref<!tpu.dma_semaphore, #tpu.memory_space<semaphore_mem>>
      tpu.wait_indirect_dma semaphore(%dma_wait3A_642 : memref<!tpu.dma_semaphore, #tpu.memory_space<semaphore_mem>>) src(%dma_wait3A_640 : memref<100000x128xf32, #tpu.memory_space<hbm>>) dst(%dma_wait3A_634 : memref<128x128xf32, #tpu.memory_space<vmem>>)
      %dma_start3A_643 = arith.constant 6 : i32
      %dma_start3A_644 = arith.constant 6 : i32
      %dma_start3A_645 = arith.constant 0 : i32
      %dma_start3A_646 = arith.constant 0 : i32
      %dma_start3A_647 = tpu.memref_slice %arg6[%dma_start3A_643, %dma_start3A_645, %dma_start3A_646] : memref<7x128x128xf32, #tpu.memory_space<vmem>> -> memref<1x128x128xf32, #tpu.memory_space<vmem>>
      %dma_start3A_648 = tpu.memref_squeeze %dma_start3A_647 : memref<1x128x128xf32, #tpu.memory_space<vmem>> -> memref<128x128xf32, #tpu.memory_space<vmem>>
      %dma_start3A_649 = arith.constant 0 : i32
      %dma_start3A_650 = arith.constant 0 : i32
      %dma_start3A_651 = tpu.memref_slice %arg4[%add3A_627, %dma_start3A_649, %dma_start3A_650] : memref<50x4096x128xf32, #tpu.memory_space<hbm>> -> memref<1x4096x128xf32, #tpu.memory_space<hbm>>
      %dma_start3A_652 = tpu.memref_squeeze %dma_start3A_651 : memref<1x4096x128xf32, #tpu.memory_space<hbm>> -> memref<4096x128xf32, #tpu.memory_space<hbm>>
      %dma_start3A_653 = arith.constant 0 : i32
      %dma_start3A_654 = tpu.memref_slice %dma_start3A_652[%mul3A_2, %dma_start3A_653] : memref<4096x128xf32, #tpu.memory_space<hbm>> -> memref<128x128xf32, #tpu.memory_space<hbm>>
      %dma_start3A_655 = tpu.memref_slice %arg8[%dma_start3A_644] : memref<7x!tpu.dma_semaphore, #tpu.memory_space<semaphore_mem>> -> memref<1x!tpu.dma_semaphore, #tpu.memory_space<semaphore_mem>>
      %dma_start3A_656 = tpu.memref_squeeze %dma_start3A_655 : memref<1x!tpu.dma_semaphore, #tpu.memory_space<semaphore_mem>> -> memref<!tpu.dma_semaphore, #tpu.memory_space<semaphore_mem>>
      %dma_start3A_657 = arith.constant 0 : i32
      %dma_start3A_658 = arith.constant 0 : i32
      %dma_start3A_659 = tpu.memref_slice %arg4[%add3A_627, %dma_start3A_657, %dma_start3A_658] : memref<50x4096x128xf32, #tpu.memory_space<hbm>> -> memref<1x4096x128xf32, #tpu.memory_space<hbm>>
      %dma_start3A_660 = tpu.memref_squeeze %dma_start3A_659 : memref<1x4096x128xf32, #tpu.memory_space<hbm>> -> memref<4096x128xf32, #tpu.memory_space<hbm>>
      %dma_start3A_661 = arith.constant 0 : i32
      %dma_start3A_662 = tpu.memref_slice %dma_start3A_660[%mul3A_2, %dma_start3A_661] : memref<4096x128xf32, #tpu.memory_space<hbm>> -> memref<128x128xf32, #tpu.memory_space<hbm>>
      %dma_start3A_663 = arith.constant 0 : i32
      %dma_start3A_664 = arith.constant 0 : i32
      %dma_start3A_665 = tpu.memref_slice %arg6[%dma_start3A_643, %dma_start3A_663, %dma_start3A_664] : memref<7x128x128xf32, #tpu.memory_space<vmem>> -> memref<1x128x128xf32, #tpu.memory_space<vmem>>
      %dma_start3A_666 = tpu.memref_squeeze %dma_start3A_665 : memref<1x128x128xf32, #tpu.memory_space<vmem>> -> memref<128x128xf32, #tpu.memory_space<vmem>>
      tpu.enqueue_dma source(%dma_start3A_666 : memref<128x128xf32, #tpu.memory_space<vmem>>) target(%dma_start3A_662 : memref<128x128xf32, #tpu.memory_space<hbm>>) target_semaphore(%dma_start3A_656 : memref<!tpu.dma_semaphore, #tpu.memory_space<semaphore_mem>>)
      %add3A_667 = arith.constant 7 : i32
      %add3A_668 = arith.addi %add3A_627, %add3A_667 : i32
      %lt3A_669 = arith.constant 50 : i32
      %lt3A_670 = arith.cmpi slt, %add3A_668, %lt3A_669 : i32
      %convert_element_type3A_671 = arith.extui %lt3A_670 : i1 to i32
      %cond3A_672 = arith.constant 0 : i32
      %cond3A_673 = arith.cmpi ne, %convert_element_type3A_671, %cond3A_672 : i32
      scf.if %cond3A_673 {
        %dma_wait3A_674 = arith.constant 6 : i32
        %dma_wait3A_675 = arith.constant 0 : i32
        %dma_wait3A_676 = arith.constant 6 : i32
        %dma_wait3A_677 = arith.constant 0 : i32
        %dma_wait3A_678 = arith.constant 0 : i32
        %dma_wait3A_679 = tpu.memref_slice %arg6[%dma_wait3A_674, %dma_wait3A_677, %dma_wait3A_678] : memref<7x128x128xf32, #tpu.memory_space<vmem>> -> memref<1x128x128xf32, #tpu.memory_space<vmem>>
        %dma_wait3A_680 = tpu.memref_squeeze %dma_wait3A_679 : memref<1x128x128xf32, #tpu.memory_space<vmem>> -> memref<128x128xf32, #tpu.memory_space<vmem>>
        %dma_wait3A_681 = arith.constant 0 : i32
        %dma_wait3A_682 = arith.constant 0 : i32
        %dma_wait3A_683 = tpu.memref_slice %arg4[%dma_wait3A_675, %dma_wait3A_681, %dma_wait3A_682] : memref<50x4096x128xf32, #tpu.memory_space<hbm>> -> memref<1x4096x128xf32, #tpu.memory_space<hbm>>
        %dma_wait3A_684 = tpu.memref_squeeze %dma_wait3A_683 : memref<1x4096x128xf32, #tpu.memory_space<hbm>> -> memref<4096x128xf32, #tpu.memory_space<hbm>>
        %dma_wait3A_685 = arith.constant 0 : i32
        %dma_wait3A_686 = tpu.memref_slice %dma_wait3A_684[%mul3A_2, %dma_wait3A_685] : memref<4096x128xf32, #tpu.memory_space<hbm>> -> memref<128x128xf32, #tpu.memory_space<hbm>>
        %dma_wait3A_687 = tpu.memref_slice %arg8[%dma_wait3A_676] : memref<7x!tpu.dma_semaphore, #tpu.memory_space<semaphore_mem>> -> memref<1x!tpu.dma_semaphore, #tpu.memory_space<semaphore_mem>>
        %dma_wait3A_688 = tpu.memref_squeeze %dma_wait3A_687 : memref<1x!tpu.dma_semaphore, #tpu.memory_space<semaphore_mem>> -> memref<!tpu.dma_semaphore, #tpu.memory_space<semaphore_mem>>
        %dma_wait3A_689 = arith.constant 0 : i32
        %dma_wait3A_690 = arith.constant 0 : i32
        %dma_wait3A_691 = tpu.memref_slice %arg4[%dma_wait3A_675, %dma_wait3A_689, %dma_wait3A_690] : memref<50x4096x128xf32, #tpu.memory_space<hbm>> -> memref<1x4096x128xf32, #tpu.memory_space<hbm>>
        %dma_wait3A_692 = tpu.memref_squeeze %dma_wait3A_691 : memref<1x4096x128xf32, #tpu.memory_space<hbm>> -> memref<4096x128xf32, #tpu.memory_space<hbm>>
        %dma_wait3A_693 = arith.constant 0 : i32
        %dma_wait3A_694 = tpu.memref_slice %dma_wait3A_692[%mul3A_2, %dma_wait3A_693] : memref<4096x128xf32, #tpu.memory_space<hbm>> -> memref<128x128xf32, #tpu.memory_space<hbm>>
        %dma_wait3A_695 = arith.constant 0 : i32
        %dma_wait3A_696 = arith.constant 0 : i32
        %dma_wait3A_697 = tpu.memref_slice %arg6[%dma_wait3A_674, %dma_wait3A_695, %dma_wait3A_696] : memref<7x128x128xf32, #tpu.memory_space<vmem>> -> memref<1x128x128xf32, #tpu.memory_space<vmem>>
        %dma_wait3A_698 = tpu.memref_squeeze %dma_wait3A_697 : memref<1x128x128xf32, #tpu.memory_space<vmem>> -> memref<128x128xf32, #tpu.memory_space<vmem>>
        tpu.wait_dma2 semaphore(%dma_wait3A_688 : memref<!tpu.dma_semaphore, #tpu.memory_space<semaphore_mem>>) src(%dma_wait3A_698 : memref<128x128xf32, #tpu.memory_space<vmem>>) dst(%dma_wait3A_694 : memref<128x128xf32, #tpu.memory_space<hbm>>)
        %add3A_699 = arith.constant 7 : i32
        %add3A_700 = arith.addi %add3A_627, %add3A_699 : i32
        %dma_start3A_701 = arith.constant 6 : i32
        %dma_start3A_702 = arith.constant 6 : i32
        %dma_start3A_703 = arith.constant 0 : i32
        %dma_start3A_704 = arith.constant 0 : i32
        %dma_start3A_705 = tpu.memref_slice %arg6[%dma_start3A_701, %dma_start3A_703, %dma_start3A_704] : memref<7x128x128xf32, #tpu.memory_space<vmem>> -> memref<1x128x128xf32, #tpu.memory_space<vmem>>
        %dma_start3A_706 = tpu.memref_squeeze %dma_start3A_705 : memref<1x128x128xf32, #tpu.memory_space<vmem>> -> memref<128x128xf32, #tpu.memory_space<vmem>>
        %dma_start3A_707 = arith.constant 0 : i32
        %dma_start3A_708 = tpu.memref_slice %arg5[%add3A_700, %dma_start3A_707] : memref<50x128xi32, #tpu.memory_space<vmem>> -> memref<1x128xi32, #tpu.memory_space<vmem>>
        %dma_start3A_709 = tpu.memref_squeeze %dma_start3A_708 : memref<1x128xi32, #tpu.memory_space<vmem>> -> memref<128xi32, #tpu.memory_space<vmem>>
        %dma_start3A_710 = arith.constant 0 : i32
        %dma_start3A_711 = arith.constant 0 : i32
        %dma_start3A_712 = tpu.memref_slice %arg3[%dma_start3A_710, %dma_start3A_711] : memref<100000x128xf32, #tpu.memory_space<hbm>> -> memref<100000x128xf32, #tpu.memory_space<hbm>>
        %dma_start3A_713 = tpu.memref_slice %arg7[%dma_start3A_702] : memref<7x!tpu.dma_semaphore, #tpu.memory_space<semaphore_mem>> -> memref<1x!tpu.dma_semaphore, #tpu.memory_space<semaphore_mem>>
        %dma_start3A_714 = tpu.memref_squeeze %dma_start3A_713 : memref<1x!tpu.dma_semaphore, #tpu.memory_space<semaphore_mem>> -> memref<!tpu.dma_semaphore, #tpu.memory_space<semaphore_mem>>
        tpu.enqueue_indirect_dma source(%dma_start3A_712 : memref<100000x128xf32, #tpu.memory_space<hbm>>) target(%dma_start3A_706 : memref<128x128xf32, #tpu.memory_space<vmem>>) offsets(%dma_start3A_709 : memref<128xi32, #tpu.memory_space<vmem>>) semaphore(%dma_start3A_714 : memref<!tpu.dma_semaphore, #tpu.memory_space<semaphore_mem>>)
      } else {
      }
    }
    %scan3A_111 = arith.constant 7 : i32
    %dma_wait3A = arith.constant 0 : i32
    %dma_wait3A_112 = arith.constant 0 : i32
    %dma_wait3A_113 = arith.constant 0 : i32
    %dma_wait3A_114 = arith.constant 0 : i32
    %dma_wait3A_115 = arith.constant 0 : i32
    %dma_wait3A_116 = tpu.memref_slice %arg6[%dma_wait3A_112, %dma_wait3A_114, %dma_wait3A_115] : memref<7x128x128xf32, #tpu.memory_space<vmem>> -> memref<1x128x128xf32, #tpu.memory_space<vmem>>
    %dma_wait3A_117 = tpu.memref_squeeze %dma_wait3A_116 : memref<1x128x128xf32, #tpu.memory_space<vmem>> -> memref<128x128xf32, #tpu.memory_space<vmem>>
    %dma_wait3A_118 = arith.constant 0 : i32
    %dma_wait3A_119 = tpu.memref_slice %arg5[%dma_wait3A, %dma_wait3A_118] : memref<50x128xi32, #tpu.memory_space<vmem>> -> memref<1x128xi32, #tpu.memory_space<vmem>>
    %dma_wait3A_120 = tpu.memref_squeeze %dma_wait3A_119 : memref<1x128xi32, #tpu.memory_space<vmem>> -> memref<128xi32, #tpu.memory_space<vmem>>
    %dma_wait3A_121 = arith.constant 0 : i32
    %dma_wait3A_122 = arith.constant 0 : i32
    %dma_wait3A_123 = tpu.memref_slice %arg3[%dma_wait3A_121, %dma_wait3A_122] : memref<100000x128xf32, #tpu.memory_space<hbm>> -> memref<100000x128xf32, #tpu.memory_space<hbm>>
    %dma_wait3A_124 = tpu.memref_slice %arg7[%dma_wait3A_113] : memref<7x!tpu.dma_semaphore, #tpu.memory_space<semaphore_mem>> -> memref<1x!tpu.dma_semaphore, #tpu.memory_space<semaphore_mem>>
    %dma_wait3A_125 = tpu.memref_squeeze %dma_wait3A_124 : memref<1x!tpu.dma_semaphore, #tpu.memory_space<semaphore_mem>> -> memref<!tpu.dma_semaphore, #tpu.memory_space<semaphore_mem>>
    tpu.wait_indirect_dma semaphore(%dma_wait3A_125 : memref<!tpu.dma_semaphore, #tpu.memory_space<semaphore_mem>>) src(%dma_wait3A_123 : memref<100000x128xf32, #tpu.memory_space<hbm>>) dst(%dma_wait3A_117 : memref<128x128xf32, #tpu.memory_space<vmem>>)
    %dma_start3A_126 = arith.constant 0 : i32
    %dma_start3A_127 = arith.constant 49 : i32
    %dma_start3A_128 = arith.constant 0 : i32
    %dma_start3A_129 = arith.constant 0 : i32
    %dma_start3A_130 = arith.constant 0 : i32
    %dma_start3A_131 = tpu.memref_slice %arg6[%dma_start3A_126, %dma_start3A_129, %dma_start3A_130] : memref<7x128x128xf32, #tpu.memory_space<vmem>> -> memref<1x128x128xf32, #tpu.memory_space<vmem>>
    %dma_start3A_132 = tpu.memref_squeeze %dma_start3A_131 : memref<1x128x128xf32, #tpu.memory_space<vmem>> -> memref<128x128xf32, #tpu.memory_space<vmem>>
    %dma_start3A_133 = arith.constant 0 : i32
    %dma_start3A_134 = arith.constant 0 : i32
    %dma_start3A_135 = tpu.memref_slice %arg4[%dma_start3A_127, %dma_start3A_133, %dma_start3A_134] : memref<50x4096x128xf32, #tpu.memory_space<hbm>> -> memref<1x4096x128xf32, #tpu.memory_space<hbm>>
    %dma_start3A_136 = tpu.memref_squeeze %dma_start3A_135 : memref<1x4096x128xf32, #tpu.memory_space<hbm>> -> memref<4096x128xf32, #tpu.memory_space<hbm>>
    %dma_start3A_137 = arith.constant 0 : i32
    %dma_start3A_138 = tpu.memref_slice %dma_start3A_136[%mul3A_2, %dma_start3A_137] : memref<4096x128xf32, #tpu.memory_space<hbm>> -> memref<128x128xf32, #tpu.memory_space<hbm>>
    %dma_start3A_139 = tpu.memref_slice %arg8[%dma_start3A_128] : memref<7x!tpu.dma_semaphore, #tpu.memory_space<semaphore_mem>> -> memref<1x!tpu.dma_semaphore, #tpu.memory_space<semaphore_mem>>
    %dma_start3A_140 = tpu.memref_squeeze %dma_start3A_139 : memref<1x!tpu.dma_semaphore, #tpu.memory_space<semaphore_mem>> -> memref<!tpu.dma_semaphore, #tpu.memory_space<semaphore_mem>>
    %dma_start3A_141 = arith.constant 0 : i32
    %dma_start3A_142 = arith.constant 0 : i32
    %dma_start3A_143 = tpu.memref_slice %arg4[%dma_start3A_127, %dma_start3A_141, %dma_start3A_142] : memref<50x4096x128xf32, #tpu.memory_space<hbm>> -> memref<1x4096x128xf32, #tpu.memory_space<hbm>>
    %dma_start3A_144 = tpu.memref_squeeze %dma_start3A_143 : memref<1x4096x128xf32, #tpu.memory_space<hbm>> -> memref<4096x128xf32, #tpu.memory_space<hbm>>
    %dma_start3A_145 = arith.constant 0 : i32
    %dma_start3A_146 = tpu.memref_slice %dma_start3A_144[%mul3A_2, %dma_start3A_145] : memref<4096x128xf32, #tpu.memory_space<hbm>> -> memref<128x128xf32, #tpu.memory_space<hbm>>
    %dma_start3A_147 = arith.constant 0 : i32
    %dma_start3A_148 = arith.constant 0 : i32
    %dma_start3A_149 = tpu.memref_slice %arg6[%dma_start3A_126, %dma_start3A_147, %dma_start3A_148] : memref<7x128x128xf32, #tpu.memory_space<vmem>> -> memref<1x128x128xf32, #tpu.memory_space<vmem>>
    %dma_start3A_150 = tpu.memref_squeeze %dma_start3A_149 : memref<1x128x128xf32, #tpu.memory_space<vmem>> -> memref<128x128xf32, #tpu.memory_space<vmem>>
    tpu.enqueue_dma source(%dma_start3A_150 : memref<128x128xf32, #tpu.memory_space<vmem>>) target(%dma_start3A_146 : memref<128x128xf32, #tpu.memory_space<hbm>>) target_semaphore(%dma_start3A_140 : memref<!tpu.dma_semaphore, #tpu.memory_space<semaphore_mem>>)
    %dma_wait3A_151 = arith.constant 0 : i32
    %dma_wait3A_152 = arith.constant 0 : i32
    %dma_wait3A_153 = arith.constant 0 : i32
    %dma_wait3A_154 = arith.constant 0 : i32
    %dma_wait3A_155 = arith.constant 0 : i32
    %dma_wait3A_156 = tpu.memref_slice %arg6[%dma_wait3A_151, %dma_wait3A_154, %dma_wait3A_155] : memref<7x128x128xf32, #tpu.memory_space<vmem>> -> memref<1x128x128xf32, #tpu.memory_space<vmem>>
    %dma_wait3A_157 = tpu.memref_squeeze %dma_wait3A_156 : memref<1x128x128xf32, #tpu.memory_space<vmem>> -> memref<128x128xf32, #tpu.memory_space<vmem>>
    %dma_wait3A_158 = arith.constant 0 : i32
    %dma_wait3A_159 = arith.constant 0 : i32
    %dma_wait3A_160 = tpu.memref_slice %arg4[%dma_wait3A_152, %dma_wait3A_158, %dma_wait3A_159] : memref<50x4096x128xf32, #tpu.memory_space<hbm>> -> memref<1x4096x128xf32, #tpu.memory_space<hbm>>
    %dma_wait3A_161 = tpu.memref_squeeze %dma_wait3A_160 : memref<1x4096x128xf32, #tpu.memory_space<hbm>> -> memref<4096x128xf32, #tpu.memory_space<hbm>>
    %dma_wait3A_162 = arith.constant 0 : i32
    %dma_wait3A_163 = tpu.memref_slice %dma_wait3A_161[%mul3A_2, %dma_wait3A_162] : memref<4096x128xf32, #tpu.memory_space<hbm>> -> memref<128x128xf32, #tpu.memory_space<hbm>>
    %dma_wait3A_164 = tpu.memref_slice %arg8[%dma_wait3A_153] : memref<7x!tpu.dma_semaphore, #tpu.memory_space<semaphore_mem>> -> memref<1x!tpu.dma_semaphore, #tpu.memory_space<semaphore_mem>>
    %dma_wait3A_165 = tpu.memref_squeeze %dma_wait3A_164 : memref<1x!tpu.dma_semaphore, #tpu.memory_space<semaphore_mem>> -> memref<!tpu.dma_semaphore, #tpu.memory_space<semaphore_mem>>
    %dma_wait3A_166 = arith.constant 0 : i32
    %dma_wait3A_167 = arith.constant 0 : i32
    %dma_wait3A_168 = tpu.memref_slice %arg4[%dma_wait3A_152, %dma_wait3A_166, %dma_wait3A_167] : memref<50x4096x128xf32, #tpu.memory_space<hbm>> -> memref<1x4096x128xf32, #tpu.memory_space<hbm>>
    %dma_wait3A_169 = tpu.memref_squeeze %dma_wait3A_168 : memref<1x4096x128xf32, #tpu.memory_space<hbm>> -> memref<4096x128xf32, #tpu.memory_space<hbm>>
    %dma_wait3A_170 = arith.constant 0 : i32
    %dma_wait3A_171 = tpu.memref_slice %dma_wait3A_169[%mul3A_2, %dma_wait3A_170] : memref<4096x128xf32, #tpu.memory_space<hbm>> -> memref<128x128xf32, #tpu.memory_space<hbm>>
    %dma_wait3A_172 = arith.constant 0 : i32
    %dma_wait3A_173 = arith.constant 0 : i32
    %dma_wait3A_174 = tpu.memref_slice %arg6[%dma_wait3A_151, %dma_wait3A_172, %dma_wait3A_173] : memref<7x128x128xf32, #tpu.memory_space<vmem>> -> memref<1x128x128xf32, #tpu.memory_space<vmem>>
    %dma_wait3A_175 = tpu.memref_squeeze %dma_wait3A_174 : memref<1x128x128xf32, #tpu.memory_space<vmem>> -> memref<128x128xf32, #tpu.memory_space<vmem>>
    tpu.wait_dma2 semaphore(%dma_wait3A_165 : memref<!tpu.dma_semaphore, #tpu.memory_space<semaphore_mem>>) src(%dma_wait3A_175 : memref<128x128xf32, #tpu.memory_space<vmem>>) dst(%dma_wait3A_171 : memref<128x128xf32, #tpu.memory_space<hbm>>)
    %dma_wait3A_176 = arith.constant 1 : i32
    %dma_wait3A_177 = arith.constant 0 : i32
    %dma_wait3A_178 = arith.constant 1 : i32
    %dma_wait3A_179 = arith.constant 0 : i32
    %dma_wait3A_180 = arith.constant 0 : i32
    %dma_wait3A_181 = tpu.memref_slice %arg6[%dma_wait3A_176, %dma_wait3A_179, %dma_wait3A_180] : memref<7x128x128xf32, #tpu.memory_space<vmem>> -> memref<1x128x128xf32, #tpu.memory_space<vmem>>
    %dma_wait3A_182 = tpu.memref_squeeze %dma_wait3A_181 : memref<1x128x128xf32, #tpu.memory_space<vmem>> -> memref<128x128xf32, #tpu.memory_space<vmem>>
    %dma_wait3A_183 = arith.constant 0 : i32
    %dma_wait3A_184 = arith.constant 0 : i32
    %dma_wait3A_185 = tpu.memref_slice %arg4[%dma_wait3A_177, %dma_wait3A_183, %dma_wait3A_184] : memref<50x4096x128xf32, #tpu.memory_space<hbm>> -> memref<1x4096x128xf32, #tpu.memory_space<hbm>>
    %dma_wait3A_186 = tpu.memref_squeeze %dma_wait3A_185 : memref<1x4096x128xf32, #tpu.memory_space<hbm>> -> memref<4096x128xf32, #tpu.memory_space<hbm>>
    %dma_wait3A_187 = arith.constant 0 : i32
    %dma_wait3A_188 = tpu.memref_slice %dma_wait3A_186[%mul3A_2, %dma_wait3A_187] : memref<4096x128xf32, #tpu.memory_space<hbm>> -> memref<128x128xf32, #tpu.memory_space<hbm>>
    %dma_wait3A_189 = tpu.memref_slice %arg8[%dma_wait3A_178] : memref<7x!tpu.dma_semaphore, #tpu.memory_space<semaphore_mem>> -> memref<1x!tpu.dma_semaphore, #tpu.memory_space<semaphore_mem>>
    %dma_wait3A_190 = tpu.memref_squeeze %dma_wait3A_189 : memref<1x!tpu.dma_semaphore, #tpu.memory_space<semaphore_mem>> -> memref<!tpu.dma_semaphore, #tpu.memory_space<semaphore_mem>>
    %dma_wait3A_191 = arith.constant 0 : i32
    %dma_wait3A_192 = arith.constant 0 : i32
    %dma_wait3A_193 = tpu.memref_slice %arg4[%dma_wait3A_177, %dma_wait3A_191, %dma_wait3A_192] : memref<50x4096x128xf32, #tpu.memory_space<hbm>> -> memref<1x4096x128xf32, #tpu.memory_space<hbm>>
    %dma_wait3A_194 = tpu.memref_squeeze %dma_wait3A_193 : memref<1x4096x128xf32, #tpu.memory_space<hbm>> -> memref<4096x128xf32, #tpu.memory_space<hbm>>
    %dma_wait3A_195 = arith.constant 0 : i32
    %dma_wait3A_196 = tpu.memref_slice %dma_wait3A_194[%mul3A_2, %dma_wait3A_195] : memref<4096x128xf32, #tpu.memory_space<hbm>> -> memref<128x128xf32, #tpu.memory_space<hbm>>
    %dma_wait3A_197 = arith.constant 0 : i32
    %dma_wait3A_198 = arith.constant 0 : i32
    %dma_wait3A_199 = tpu.memref_slice %arg6[%dma_wait3A_176, %dma_wait3A_197, %dma_wait3A_198] : memref<7x128x128xf32, #tpu.memory_space<vmem>> -> memref<1x128x128xf32, #tpu.memory_space<vmem>>
    %dma_wait3A_200 = tpu.memref_squeeze %dma_wait3A_199 : memref<1x128x128xf32, #tpu.memory_space<vmem>> -> memref<128x128xf32, #tpu.memory_space<vmem>>
    tpu.wait_dma2 semaphore(%dma_wait3A_190 : memref<!tpu.dma_semaphore, #tpu.memory_space<semaphore_mem>>) src(%dma_wait3A_200 : memref<128x128xf32, #tpu.memory_space<vmem>>) dst(%dma_wait3A_196 : memref<128x128xf32, #tpu.memory_space<hbm>>)
    %dma_wait3A_201 = arith.constant 2 : i32
    %dma_wait3A_202 = arith.constant 0 : i32
    %dma_wait3A_203 = arith.constant 2 : i32
    %dma_wait3A_204 = arith.constant 0 : i32
    %dma_wait3A_205 = arith.constant 0 : i32
    %dma_wait3A_206 = tpu.memref_slice %arg6[%dma_wait3A_201, %dma_wait3A_204, %dma_wait3A_205] : memref<7x128x128xf32, #tpu.memory_space<vmem>> -> memref<1x128x128xf32, #tpu.memory_space<vmem>>
    %dma_wait3A_207 = tpu.memref_squeeze %dma_wait3A_206 : memref<1x128x128xf32, #tpu.memory_space<vmem>> -> memref<128x128xf32, #tpu.memory_space<vmem>>
    %dma_wait3A_208 = arith.constant 0 : i32
    %dma_wait3A_209 = arith.constant 0 : i32
    %dma_wait3A_210 = tpu.memref_slice %arg4[%dma_wait3A_202, %dma_wait3A_208, %dma_wait3A_209] : memref<50x4096x128xf32, #tpu.memory_space<hbm>> -> memref<1x4096x128xf32, #tpu.memory_space<hbm>>
    %dma_wait3A_211 = tpu.memref_squeeze %dma_wait3A_210 : memref<1x4096x128xf32, #tpu.memory_space<hbm>> -> memref<4096x128xf32, #tpu.memory_space<hbm>>
    %dma_wait3A_212 = arith.constant 0 : i32
    %dma_wait3A_213 = tpu.memref_slice %dma_wait3A_211[%mul3A_2, %dma_wait3A_212] : memref<4096x128xf32, #tpu.memory_space<hbm>> -> memref<128x128xf32, #tpu.memory_space<hbm>>
    %dma_wait3A_214 = tpu.memref_slice %arg8[%dma_wait3A_203] : memref<7x!tpu.dma_semaphore, #tpu.memory_space<semaphore_mem>> -> memref<1x!tpu.dma_semaphore, #tpu.memory_space<semaphore_mem>>
    %dma_wait3A_215 = tpu.memref_squeeze %dma_wait3A_214 : memref<1x!tpu.dma_semaphore, #tpu.memory_space<semaphore_mem>> -> memref<!tpu.dma_semaphore, #tpu.memory_space<semaphore_mem>>
    %dma_wait3A_216 = arith.constant 0 : i32
    %dma_wait3A_217 = arith.constant 0 : i32
    %dma_wait3A_218 = tpu.memref_slice %arg4[%dma_wait3A_202, %dma_wait3A_216, %dma_wait3A_217] : memref<50x4096x128xf32, #tpu.memory_space<hbm>> -> memref<1x4096x128xf32, #tpu.memory_space<hbm>>
    %dma_wait3A_219 = tpu.memref_squeeze %dma_wait3A_218 : memref<1x4096x128xf32, #tpu.memory_space<hbm>> -> memref<4096x128xf32, #tpu.memory_space<hbm>>
    %dma_wait3A_220 = arith.constant 0 : i32
    %dma_wait3A_221 = tpu.memref_slice %dma_wait3A_219[%mul3A_2, %dma_wait3A_220] : memref<4096x128xf32, #tpu.memory_space<hbm>> -> memref<128x128xf32, #tpu.memory_space<hbm>>
    %dma_wait3A_222 = arith.constant 0 : i32
    %dma_wait3A_223 = arith.constant 0 : i32
    %dma_wait3A_224 = tpu.memref_slice %arg6[%dma_wait3A_201, %dma_wait3A_222, %dma_wait3A_223] : memref<7x128x128xf32, #tpu.memory_space<vmem>> -> memref<1x128x128xf32, #tpu.memory_space<vmem>>
    %dma_wait3A_225 = tpu.memref_squeeze %dma_wait3A_224 : memref<1x128x128xf32, #tpu.memory_space<vmem>> -> memref<128x128xf32, #tpu.memory_space<vmem>>
    tpu.wait_dma2 semaphore(%dma_wait3A_215 : memref<!tpu.dma_semaphore, #tpu.memory_space<semaphore_mem>>) src(%dma_wait3A_225 : memref<128x128xf32, #tpu.memory_space<vmem>>) dst(%dma_wait3A_221 : memref<128x128xf32, #tpu.memory_space<hbm>>)
    %dma_wait3A_226 = arith.constant 3 : i32
    %dma_wait3A_227 = arith.constant 0 : i32
    %dma_wait3A_228 = arith.constant 3 : i32
    %dma_wait3A_229 = arith.constant 0 : i32
    %dma_wait3A_230 = arith.constant 0 : i32
    %dma_wait3A_231 = tpu.memref_slice %arg6[%dma_wait3A_226, %dma_wait3A_229, %dma_wait3A_230] : memref<7x128x128xf32, #tpu.memory_space<vmem>> -> memref<1x128x128xf32, #tpu.memory_space<vmem>>
    %dma_wait3A_232 = tpu.memref_squeeze %dma_wait3A_231 : memref<1x128x128xf32, #tpu.memory_space<vmem>> -> memref<128x128xf32, #tpu.memory_space<vmem>>
    %dma_wait3A_233 = arith.constant 0 : i32
    %dma_wait3A_234 = arith.constant 0 : i32
    %dma_wait3A_235 = tpu.memref_slice %arg4[%dma_wait3A_227, %dma_wait3A_233, %dma_wait3A_234] : memref<50x4096x128xf32, #tpu.memory_space<hbm>> -> memref<1x4096x128xf32, #tpu.memory_space<hbm>>
    %dma_wait3A_236 = tpu.memref_squeeze %dma_wait3A_235 : memref<1x4096x128xf32, #tpu.memory_space<hbm>> -> memref<4096x128xf32, #tpu.memory_space<hbm>>
    %dma_wait3A_237 = arith.constant 0 : i32
    %dma_wait3A_238 = tpu.memref_slice %dma_wait3A_236[%mul3A_2, %dma_wait3A_237] : memref<4096x128xf32, #tpu.memory_space<hbm>> -> memref<128x128xf32, #tpu.memory_space<hbm>>
    %dma_wait3A_239 = tpu.memref_slice %arg8[%dma_wait3A_228] : memref<7x!tpu.dma_semaphore, #tpu.memory_space<semaphore_mem>> -> memref<1x!tpu.dma_semaphore, #tpu.memory_space<semaphore_mem>>
    %dma_wait3A_240 = tpu.memref_squeeze %dma_wait3A_239 : memref<1x!tpu.dma_semaphore, #tpu.memory_space<semaphore_mem>> -> memref<!tpu.dma_semaphore, #tpu.memory_space<semaphore_mem>>
    %dma_wait3A_241 = arith.constant 0 : i32
    %dma_wait3A_242 = arith.constant 0 : i32
    %dma_wait3A_243 = tpu.memref_slice %arg4[%dma_wait3A_227, %dma_wait3A_241, %dma_wait3A_242] : memref<50x4096x128xf32, #tpu.memory_space<hbm>> -> memref<1x4096x128xf32, #tpu.memory_space<hbm>>
    %dma_wait3A_244 = tpu.memref_squeeze %dma_wait3A_243 : memref<1x4096x128xf32, #tpu.memory_space<hbm>> -> memref<4096x128xf32, #tpu.memory_space<hbm>>
    %dma_wait3A_245 = arith.constant 0 : i32
    %dma_wait3A_246 = tpu.memref_slice %dma_wait3A_244[%mul3A_2, %dma_wait3A_245] : memref<4096x128xf32, #tpu.memory_space<hbm>> -> memref<128x128xf32, #tpu.memory_space<hbm>>
    %dma_wait3A_247 = arith.constant 0 : i32
    %dma_wait3A_248 = arith.constant 0 : i32
    %dma_wait3A_249 = tpu.memref_slice %arg6[%dma_wait3A_226, %dma_wait3A_247, %dma_wait3A_248] : memref<7x128x128xf32, #tpu.memory_space<vmem>> -> memref<1x128x128xf32, #tpu.memory_space<vmem>>
    %dma_wait3A_250 = tpu.memref_squeeze %dma_wait3A_249 : memref<1x128x128xf32, #tpu.memory_space<vmem>> -> memref<128x128xf32, #tpu.memory_space<vmem>>
    tpu.wait_dma2 semaphore(%dma_wait3A_240 : memref<!tpu.dma_semaphore, #tpu.memory_space<semaphore_mem>>) src(%dma_wait3A_250 : memref<128x128xf32, #tpu.memory_space<vmem>>) dst(%dma_wait3A_246 : memref<128x128xf32, #tpu.memory_space<hbm>>)
    %dma_wait3A_251 = arith.constant 4 : i32
    %dma_wait3A_252 = arith.constant 0 : i32
    %dma_wait3A_253 = arith.constant 4 : i32
    %dma_wait3A_254 = arith.constant 0 : i32
    %dma_wait3A_255 = arith.constant 0 : i32
    %dma_wait3A_256 = tpu.memref_slice %arg6[%dma_wait3A_251, %dma_wait3A_254, %dma_wait3A_255] : memref<7x128x128xf32, #tpu.memory_space<vmem>> -> memref<1x128x128xf32, #tpu.memory_space<vmem>>
    %dma_wait3A_257 = tpu.memref_squeeze %dma_wait3A_256 : memref<1x128x128xf32, #tpu.memory_space<vmem>> -> memref<128x128xf32, #tpu.memory_space<vmem>>
    %dma_wait3A_258 = arith.constant 0 : i32
    %dma_wait3A_259 = arith.constant 0 : i32
    %dma_wait3A_260 = tpu.memref_slice %arg4[%dma_wait3A_252, %dma_wait3A_258, %dma_wait3A_259] : memref<50x4096x128xf32, #tpu.memory_space<hbm>> -> memref<1x4096x128xf32, #tpu.memory_space<hbm>>
    %dma_wait3A_261 = tpu.memref_squeeze %dma_wait3A_260 : memref<1x4096x128xf32, #tpu.memory_space<hbm>> -> memref<4096x128xf32, #tpu.memory_space<hbm>>
    %dma_wait3A_262 = arith.constant 0 : i32
    %dma_wait3A_263 = tpu.memref_slice %dma_wait3A_261[%mul3A_2, %dma_wait3A_262] : memref<4096x128xf32, #tpu.memory_space<hbm>> -> memref<128x128xf32, #tpu.memory_space<hbm>>
    %dma_wait3A_264 = tpu.memref_slice %arg8[%dma_wait3A_253] : memref<7x!tpu.dma_semaphore, #tpu.memory_space<semaphore_mem>> -> memref<1x!tpu.dma_semaphore, #tpu.memory_space<semaphore_mem>>
    %dma_wait3A_265 = tpu.memref_squeeze %dma_wait3A_264 : memref<1x!tpu.dma_semaphore, #tpu.memory_space<semaphore_mem>> -> memref<!tpu.dma_semaphore, #tpu.memory_space<semaphore_mem>>
    %dma_wait3A_266 = arith.constant 0 : i32
    %dma_wait3A_267 = arith.constant 0 : i32
    %dma_wait3A_268 = tpu.memref_slice %arg4[%dma_wait3A_252, %dma_wait3A_266, %dma_wait3A_267] : memref<50x4096x128xf32, #tpu.memory_space<hbm>> -> memref<1x4096x128xf32, #tpu.memory_space<hbm>>
    %dma_wait3A_269 = tpu.memref_squeeze %dma_wait3A_268 : memref<1x4096x128xf32, #tpu.memory_space<hbm>> -> memref<4096x128xf32, #tpu.memory_space<hbm>>
    %dma_wait3A_270 = arith.constant 0 : i32
    %dma_wait3A_271 = tpu.memref_slice %dma_wait3A_269[%mul3A_2, %dma_wait3A_270] : memref<4096x128xf32, #tpu.memory_space<hbm>> -> memref<128x128xf32, #tpu.memory_space<hbm>>
    %dma_wait3A_272 = arith.constant 0 : i32
    %dma_wait3A_273 = arith.constant 0 : i32
    %dma_wait3A_274 = tpu.memref_slice %arg6[%dma_wait3A_251, %dma_wait3A_272, %dma_wait3A_273] : memref<7x128x128xf32, #tpu.memory_space<vmem>> -> memref<1x128x128xf32, #tpu.memory_space<vmem>>
    %dma_wait3A_275 = tpu.memref_squeeze %dma_wait3A_274 : memref<1x128x128xf32, #tpu.memory_space<vmem>> -> memref<128x128xf32, #tpu.memory_space<vmem>>
    tpu.wait_dma2 semaphore(%dma_wait3A_265 : memref<!tpu.dma_semaphore, #tpu.memory_space<semaphore_mem>>) src(%dma_wait3A_275 : memref<128x128xf32, #tpu.memory_space<vmem>>) dst(%dma_wait3A_271 : memref<128x128xf32, #tpu.memory_space<hbm>>)
    %dma_wait3A_276 = arith.constant 5 : i32
    %dma_wait3A_277 = arith.constant 0 : i32
    %dma_wait3A_278 = arith.constant 5 : i32
    %dma_wait3A_279 = arith.constant 0 : i32
    %dma_wait3A_280 = arith.constant 0 : i32
    %dma_wait3A_281 = tpu.memref_slice %arg6[%dma_wait3A_276, %dma_wait3A_279, %dma_wait3A_280] : memref<7x128x128xf32, #tpu.memory_space<vmem>> -> memref<1x128x128xf32, #tpu.memory_space<vmem>>
    %dma_wait3A_282 = tpu.memref_squeeze %dma_wait3A_281 : memref<1x128x128xf32, #tpu.memory_space<vmem>> -> memref<128x128xf32, #tpu.memory_space<vmem>>
    %dma_wait3A_283 = arith.constant 0 : i32
    %dma_wait3A_284 = arith.constant 0 : i32
    %dma_wait3A_285 = tpu.memref_slice %arg4[%dma_wait3A_277, %dma_wait3A_283, %dma_wait3A_284] : memref<50x4096x128xf32, #tpu.memory_space<hbm>> -> memref<1x4096x128xf32, #tpu.memory_space<hbm>>
    %dma_wait3A_286 = tpu.memref_squeeze %dma_wait3A_285 : memref<1x4096x128xf32, #tpu.memory_space<hbm>> -> memref<4096x128xf32, #tpu.memory_space<hbm>>
    %dma_wait3A_287 = arith.constant 0 : i32
    %dma_wait3A_288 = tpu.memref_slice %dma_wait3A_286[%mul3A_2, %dma_wait3A_287] : memref<4096x128xf32, #tpu.memory_space<hbm>> -> memref<128x128xf32, #tpu.memory_space<hbm>>
    %dma_wait3A_289 = tpu.memref_slice %arg8[%dma_wait3A_278] : memref<7x!tpu.dma_semaphore, #tpu.memory_space<semaphore_mem>> -> memref<1x!tpu.dma_semaphore, #tpu.memory_space<semaphore_mem>>
    %dma_wait3A_290 = tpu.memref_squeeze %dma_wait3A_289 : memref<1x!tpu.dma_semaphore, #tpu.memory_space<semaphore_mem>> -> memref<!tpu.dma_semaphore, #tpu.memory_space<semaphore_mem>>
    %dma_wait3A_291 = arith.constant 0 : i32
    %dma_wait3A_292 = arith.constant 0 : i32
    %dma_wait3A_293 = tpu.memref_slice %arg4[%dma_wait3A_277, %dma_wait3A_291, %dma_wait3A_292] : memref<50x4096x128xf32, #tpu.memory_space<hbm>> -> memref<1x4096x128xf32, #tpu.memory_space<hbm>>
    %dma_wait3A_294 = tpu.memref_squeeze %dma_wait3A_293 : memref<1x4096x128xf32, #tpu.memory_space<hbm>> -> memref<4096x128xf32, #tpu.memory_space<hbm>>
    %dma_wait3A_295 = arith.constant 0 : i32
    %dma_wait3A_296 = tpu.memref_slice %dma_wait3A_294[%mul3A_2, %dma_wait3A_295] : memref<4096x128xf32, #tpu.memory_space<hbm>> -> memref<128x128xf32, #tpu.memory_space<hbm>>
    %dma_wait3A_297 = arith.constant 0 : i32
    %dma_wait3A_298 = arith.constant 0 : i32
    %dma_wait3A_299 = tpu.memref_slice %arg6[%dma_wait3A_276, %dma_wait3A_297, %dma_wait3A_298] : memref<7x128x128xf32, #tpu.memory_space<vmem>> -> memref<1x128x128xf32, #tpu.memory_space<vmem>>
    %dma_wait3A_300 = tpu.memref_squeeze %dma_wait3A_299 : memref<1x128x128xf32, #tpu.memory_space<vmem>> -> memref<128x128xf32, #tpu.memory_space<vmem>>
    tpu.wait_dma2 semaphore(%dma_wait3A_290 : memref<!tpu.dma_semaphore, #tpu.memory_space<semaphore_mem>>) src(%dma_wait3A_300 : memref<128x128xf32, #tpu.memory_space<vmem>>) dst(%dma_wait3A_296 : memref<128x128xf32, #tpu.memory_space<hbm>>)
    %dma_wait3A_301 = arith.constant 6 : i32
    %dma_wait3A_302 = arith.constant 0 : i32
    %dma_wait3A_303 = arith.constant 6 : i32
    %dma_wait3A_304 = arith.constant 0 : i32
    %dma_wait3A_305 = arith.constant 0 : i32
    %dma_wait3A_306 = tpu.memref_slice %arg6[%dma_wait3A_301, %dma_wait3A_304, %dma_wait3A_305] : memref<7x128x128xf32, #tpu.memory_space<vmem>> -> memref<1x128x128xf32, #tpu.memory_space<vmem>>
    %dma_wait3A_307 = tpu.memref_squeeze %dma_wait3A_306 : memref<1x128x128xf32, #tpu.memory_space<vmem>> -> memref<128x128xf32, #tpu.memory_space<vmem>>
    %dma_wait3A_308 = arith.constant 0 : i32
    %dma_wait3A_309 = arith.constant 0 : i32
    %dma_wait3A_310 = tpu.memref_slice %arg4[%dma_wait3A_302, %dma_wait3A_308, %dma_wait3A_309] : memref<50x4096x128xf32, #tpu.memory_space<hbm>> -> memref<1x4096x128xf32, #tpu.memory_space<hbm>>
    %dma_wait3A_311 = tpu.memref_squeeze %dma_wait3A_310 : memref<1x4096x128xf32, #tpu.memory_space<hbm>> -> memref<4096x128xf32, #tpu.memory_space<hbm>>
    %dma_wait3A_312 = arith.constant 0 : i32
    %dma_wait3A_313 = tpu.memref_slice %dma_wait3A_311[%mul3A_2, %dma_wait3A_312] : memref<4096x128xf32, #tpu.memory_space<hbm>> -> memref<128x128xf32, #tpu.memory_space<hbm>>
    %dma_wait3A_314 = tpu.memref_slice %arg8[%dma_wait3A_303] : memref<7x!tpu.dma_semaphore, #tpu.memory_space<semaphore_mem>> -> memref<1x!tpu.dma_semaphore, #tpu.memory_space<semaphore_mem>>
    %dma_wait3A_315 = tpu.memref_squeeze %dma_wait3A_314 : memref<1x!tpu.dma_semaphore, #tpu.memory_space<semaphore_mem>> -> memref<!tpu.dma_semaphore, #tpu.memory_space<semaphore_mem>>
    %dma_wait3A_316 = arith.constant 0 : i32
    %dma_wait3A_317 = arith.constant 0 : i32
    %dma_wait3A_318 = tpu.memref_slice %arg4[%dma_wait3A_302, %dma_wait3A_316, %dma_wait3A_317] : memref<50x4096x128xf32, #tpu.memory_space<hbm>> -> memref<1x4096x128xf32, #tpu.memory_space<hbm>>
    %dma_wait3A_319 = tpu.memref_squeeze %dma_wait3A_318 : memref<1x4096x128xf32, #tpu.memory_space<hbm>> -> memref<4096x128xf32, #tpu.memory_space<hbm>>
    %dma_wait3A_320 = arith.constant 0 : i32
    %dma_wait3A_321 = tpu.memref_slice %dma_wait3A_319[%mul3A_2, %dma_wait3A_320] : memref<4096x128xf32, #tpu.memory_space<hbm>> -> memref<128x128xf32, #tpu.memory_space<hbm>>
    %dma_wait3A_322 = arith.constant 0 : i32
    %dma_wait3A_323 = arith.constant 0 : i32
    %dma_wait3A_324 = tpu.memref_slice %arg6[%dma_wait3A_301, %dma_wait3A_322, %dma_wait3A_323] : memref<7x128x128xf32, #tpu.memory_space<vmem>> -> memref<1x128x128xf32, #tpu.memory_space<vmem>>
    %dma_wait3A_325 = tpu.memref_squeeze %dma_wait3A_324 : memref<1x128x128xf32, #tpu.memory_space<vmem>> -> memref<128x128xf32, #tpu.memory_space<vmem>>
    tpu.wait_dma2 semaphore(%dma_wait3A_315 : memref<!tpu.dma_semaphore, #tpu.memory_space<semaphore_mem>>) src(%dma_wait3A_325 : memref<128x128xf32, #tpu.memory_space<vmem>>) dst(%dma_wait3A_321 : memref<128x128xf32, #tpu.memory_space<hbm>>)
    return
  }
}

</mosaic_0001>

<sc_bundles>
// kernel: kernel.3.cloned.1.call-start
scs
__scs_entry_jumppad:
0x0: {  	(pc) =	sbr.rel $0x88, $3  }
0x1: {  	(tag) =	ssettag $0x0;
	lr =	simm.s32 $0x1  }
0x2: {  	[smem:$0x3F9F] =	sst lr;
	_ =	strace $0xD0000000  }
0x3: {  	_ = 	snop  }
0x4: {  	_ = 	snop  }
0x5: {  	_ = 	snop  }
0x6: {  	_ = 	snop  }
0x7: {  	_ = 	snop  }
__scs_overlays_trampoline_lowered:
0x8: {  	[smem:$0x3FAE] =	sst s0  }
0x9: {  	[smem:$0x3FAF] =	sst s1  }
0xa: {  	[smem:$0x3FB0] =	sst s2  }
0xb: {  	[smem:$0x3FB1] =	sst s3  }
0xc: {  	[smem:$0x3FB2] =	sst s4  }
0xd: {  	[smem:$0x3FB3] =	sst s5  }
0xe: {  	[smem:$0x3FB4] =	sst s6  }
0xf: {  	[smem:$0x3FB5] =	sst s7  }
0x10: {  	[smem:$0x3FB6] =	sst s8  }
0x11: {  	[smem:$0x3FB7] =	sst s9;
	s0 =	simm.s32 @!p0 $0x0  }
0x12: {  	s1 =	sld [smem:$0x3F9D];
	s0 =	simm.s32 @p0 $0x1  }
0x13: {  	[smem:$0x3FB8] =	sst s0;
	s0 =	simm.s32 @!p1 $0x0  }
0x14: {  	s2 =	sld [smem:$0x3F9C];
	s0 =	simm.s32 @p1 $0x1  }
0x15: {  	[smem:$0x3FB9] =	sst s0;
	s0 =	simm.s32 @!p2 $0x0  }
0x16: {  	s3 =	sld [smem:$0x3FDB];
	s0 =	simm.s32 @p2 $0x1  }
0x17: {  	s4 =	simm.s32 $0x1BF5;
	[smem:$0x3FBB] =	sst s0  }
0x18: {  	s0 =	sld [smem:$0x3F9E];
	_ =	swait.ge [sflag:s4], $0x0  }
0x19: {  	s7 =	sld [smem:$0x3F9F]  }
0x1a: {  	s8 =	sadd.s32 $0xFFFFE003, lr  }
0x1b: {  	s9 =	sadd.s32 $0xFFFFFEF7, lr;
	s5 =	simm.s32 $0xFFFFFFFF;
	p2 =	slt.u32 s8, $0xFFFFF086  }
0x1c: {  	p1 =	slt.u32 s9, $0xF7A;
	s5 =	simm.s32 @!p2 $0x0  }
0x1d: {  	s5 =	simm.s32 @p1 $0x1;
	p0 =	seq.s32 s7, s2  }
0x1e: {  	s7 =	smul.u32 @!p0 $0xF7A, s2;
	p2 =	seq.s32 @!p0 s5, $0x0  }
0x1f: {  	s9 =	smul.u32 $0xF7A, s1;
	s8 =	simm.s32 @!p0 $0x1BF5;
	p2 =	por !p2, p0  }
0x20: {  	[sflag:s8] =	ssyncset.s32 @!p0 $0xFFFFF086;
	s6 =	sadd.s32 @!p0 s3, s7;
	s7 =	simm.s32 @!p0 $0x108  }
0x21: {  	s3 =	sadd.s32 s3, s9;
	s6 =	sadd.s32 @!p0 $0x88, s6;
	s7 =	simm.s32 @p2 $0x1082  }
0x22: {  	[simem:s7], [sflag:s8] =	dma.local @!p0 [hbm:s6], $0xF7A  }
0x23: {  	s9 =	sor.u32 $0xD0000000, s2;
	s6 =	simm.s32 $0x108;
	_ =	swait.ge @!p0 [sflag:s8], $0x0  }
0x24: {  	s3 =	sadd.s32 $0x88, s3;
	s6 =	simm.s32 @!p1 $0x1082;
	[sflag:s4] =	ssyncset.s32 $0xFFFFF086  }
0x25: {  	[simem:s6], [sflag:s4] =	dma.local [hbm:s3], $0xF7A  }
0x26: {  	[smem:$0x3F9F] =	sst s1;
	(tag) =	ssettag s2;
	_ =	strace s9  }
0x27: {  	s1 =	sld [smem:$0x3FAF]  }
0x28: {  	s2 =	sld [smem:$0x3FB0]  }
0x29: {  	s4 =	sld [smem:$0x3FB2]  }
0x2a: {  	p0 =	seq.s32 s5, $0x0;
	s5 =	sld [smem:$0x3FB3]  }
0x2b: {  	s6 =	sld [smem:$0x3FB4]  }
0x2c: {  	s7 =	sld [smem:$0x3FB5]  }
0x2d: {  	s3 =	simm.s32 $0x108;
	s8 =	sld [smem:$0x3FB6]  }
0x2e: {  	s3 =	simm.s32 @!p0 $0x1082;
	s9 =	sld [smem:$0x3FB7]  }
0x2f: {  	lr =	sadd.s32 s0, s3;
	s0 =	sld [smem:$0x3FAE]  }
0x30: {  	s3 =	sld [smem:$0x3FB1]  }
0x31: {  	[smem:$0x3FBA] =	sst s10  }
0x32: {  	s10 =	sld [smem:$0x3FB8];
	_ =	sdelay $0x3  }
0x33: {  	p0 =	seq.s32 s10, $0x1;
	s10 =	sld [smem:$0x3FBA];
	_ =	sdelay $0x3  }
0x34: {  	[smem:$0x3FBA] =	sst s10  }
0x35: {  	s10 =	sld [smem:$0x3FB9];
	_ =	sdelay $0x3  }
0x36: {  	p1 =	seq.s32 s10, $0x1;
	s10 =	sld [smem:$0x3FBA];
	_ =	sdelay $0x3  }
0x37: {  	[smem:$0x3FBA] =	sst s10  }
0x38: {  	s10 =	sld [smem:$0x3FBB]  }
0x39: {  	_ = 	snop;
	(pc) =	sbr.ind lr, $3  }
0x3a: {  	_ = 	snop  }
0x3b: {  	_ = 	snop  }
0x3c: {  	p2 =	seq.s32 s10, $0x1;
	s10 =	sld [smem:$0x3FBA]  }
0x3d: {  	_ =	shalt  }
0x3e: {  	_ =	shalt  }
0x3f: {  	_ =	shalt  }
0x40: {  	_ =	shalt  }
0x41: {  	_ =	shalt  }
0x42: {  	_ =	shalt  }
0x43: {  	_ =	shalt  }
0x44: {  	_ =	shalt  }
0x45: {  	_ =	shalt  }
0x46: {  	_ =	shalt  }
0x47: {  	_ =	shalt  }
0x48: {  	_ =	shalt  }
0x49: {  	_ =	shalt  }
0x4a: {  	_ =	shalt  }
0x4b: {  	_ =	shalt  }
0x4c: {  	_ =	shalt  }
0x4d: {  	_ =	shalt  }
0x4e: {  	_ =	shalt  }
0x4f: {  	_ =	shalt  }
0x50: {  	_ =	shalt  }
0x51: {  	_ =	shalt  }
0x52: {  	_ =	shalt  }
0x53: {  	_ =	shalt  }
0x54: {  	_ =	shalt  }
0x55: {  	_ =	shalt  }
0x56: {  	_ =	shalt  }
0x57: {  	_ =	shalt  }
0x58: {  	_ =	shalt  }
0x59: {  	_ =	shalt  }
0x5a: {  	_ =	shalt  }
0x5b: {  	_ =	shalt  }
0x5c: {  	_ =	shalt  }
0x5d: {  	_ =	shalt  }
0x5e: {  	_ =	shalt  }
0x5f: {  	_ =	shalt  }
0x60: {  	_ =	shalt  }
0x61: {  	_ =	shalt  }
0x62: {  	_ =	shalt  }
0x63: {  	_ =	shalt  }
0x64: {  	_ =	shalt  }
0x65: {  	_ =	shalt  }
0x66: {  	_ =	shalt  }
0x67: {  	_ =	shalt  }
0x68: {  	_ =	shalt  }
0x69: {  	_ =	shalt  }
0x6a: {  	_ =	shalt  }
0x6b: {  	_ =	shalt  }
0x6c: {  	_ =	shalt  }
0x6d: {  	_ =	shalt  }
0x6e: {  	_ =	shalt  }
0x6f: {  	_ =	shalt  }
0x70: {  	_ =	shalt  }
0x71: {  	_ =	shalt  }
0x72: {  	_ =	shalt  }
0x73: {  	_ =	shalt  }
0x74: {  	_ =	shalt  }
0x75: {  	_ =	shalt  }
0x76: {  	_ =	shalt  }
0x77: {  	_ =	shalt  }
0x78: {  	_ =	shalt  }
0x79: {  	_ =	shalt  }
0x7a: {  	_ =	shalt  }
0x7b: {  	_ =	shalt  }
0x7c: {  	_ =	shalt  }
0x7d: {  	_ =	shalt  }
0x7e: {  	_ =	shalt  }
0x7f: {  	_ =	shalt  }
0x80: {  	_ =	shalt  }
0x81: {  	_ =	shalt  }
0x82: {  	_ =	shalt  }
0x83: {  	_ =	shalt  }
0x84: {  	_ =	shalt  }
0x85: {  	_ =	shalt  }
0x86: {  	_ =	shalt  }
0x87: {  	_ =	shalt  }
.Lfunc_end0:
.L_simem_size_0:
called_computation_lowered:
.L_overlay_start_0:
0x88: {  	s2 =	sld [smem:$0x3FD9]  }
0x89: {  	s3 =	sld [smem:$0x3FFE];
	_ =	sdelay $0x1  }
0x8a: {  	s1 =	srdreg.scid  }
0x8b: {  	s0 =	sand.u32 $0x1, s1  }
0x8c: {  	s18 =	sshll.u32 s0, $0xA;
	s2 =	sadd.s32 s3, s2  }
0x8d: {  	s2 =	sadd.s32 s2, s18  }
0x8e: {  	[smem:$0x3FC6] =	sst s2  }
0x8f: {  	_ = 	snop  }
0x90: {  	s2 =	sld [smem:$0x3FC9]  }
0x91: {  	s19 =	sld [smem:$0x3FC8]  }
0x92: {  	s4 =	sld [smem:$0x3FD0];
	(tm) =	ssettm $0x1  }
0x93: {  	s5 =	sld [smem:$0x3FFB];
	_ =	sdelay $0x3  }
0x94: {  	_ =	strace s5  }
0x95: {  	s5 =	sld [smem:$0x3FFC];
	_ =	sdelay $0x3  }
0x96: {  	_ =	strace s5  }
0x97: {  	s5 =	sld [smem:$0x3FFD];
	_ =	sdelay $0x3  }
0x98: {  	_ =	strace s5  }
0x99: {  	_ =	strace $0x8FFFFFFF  }
0x9a: {  	s20 =	sld [smem:$0x3FDB];
	_ =	sdelay $0x1  }
0x9b: {  	s6 =	simm.s32 $_scs_section_size  }
0x9c: {  	s7 =	simm.s32 $_size__tile_overlayer_lowered;
	s8 =	simm.s32 $_tile_overlayer_lowered  }
0x9d: {  	s23 =	simm.s32 $0x1BFF;
	s22 =	sshll.u32 s8, $0x1;
	s5 =	sadd.s32 s6, s20  }
0x9e: {  	s9 =	simm.s32 $0x0;
	s21 =	sshll.u32 s7, $0x1;
	s7 =	sadd.s32 s22, s5  }
0x9f: {  	[timem:s9], [sflag:s23] =	dma.local [hbm:s7], s21  }
0xa0: {  	_ =	swait.ge [sflag:s23], s21  }
0xa1: {  	s6 =	ssub.s32 $0x0, s21;
	[sflag:s23] =	ssyncset.done $0x0  }
0xa2: {  	[sflag:s23] =	ssyncadd.s32 s6;
	_ =	sdelay $0x1  }
0xa3: {  	s24 =	simm.s32 $0x1B8B  }
0xa4: {  	_ =	swait.ge [sflag:s24], $0x1  }
0xa5: {  	[sflag:s24] =	ssyncset.done $0x0  }
0xa6: {  	s25 =	simm.s32 $0x1B8E;
	[sflag:s24] =	ssyncadd.s32 $0xFFFFFFFF  }
0xa7: {  	s26 =	simm.s32 $execute0_lowered;
	[smem:$0x3FD2] =	sst s25  }
0xa8: {  	s6 =	sshll.u32 s26, $0x1;
	_ =	strace $0x80000046;
	[dreg:$0x1] =	wrdreg $0xFFFFFFFF  }
0xa9: {  	s28 =	simm.s32 $_size_execute0_lowered;
	s5 =	sadd.s32 s5, s6;
	[dreg:$0x0] =	wrdreg $0x0  }
0xaa: {  	s6 =	sshll.u32 s28, $0x1;
	[dreg:$0x2] =	wrdreg s5  }
0xab: {  	[dreg:$0x3] =	wrdreg s6  }
0xac: {  	[dreg:$0x4] =	wrdreg $0xC0  }
0xad: {  	_ =	task [dreg:s9], $0x5FFFF  }
0xae: {  	[dreg:$0x1] =	wrdreg $0xFFFFFFFF  }
0xaf: {  	[dreg:$0x0] =	wrdreg $0x60  }
0xb0: {  	[dreg:$0x2] =	wrdreg s2  }
0xb1: {  	[dreg:$0x3] =	wrdreg s19  }
0xb2: {  	[dreg:$0x4] =	wrdreg s4  }
0xb3: {  	[dreg:$0x5] =	wrdreg $0x9  }
0xb4: {  	_ =	task.clear_ibuf [dreg:s9], $0x6FFFF;
	_ =	strace $0x90000046  }
0xb5: {  	s29 =	simm.s32 $0x9;
	_ =	strace $0x80000048  }
0xb6: {  	_ =	swait.ge [sflag:s29], $0x1  }
0xb7: {  	[sflag:s29] =	ssyncadd.s32 $0xFFFFFFFF  }
0xb8: {  	_ =	strace $0x90000048  }
0xb9: {  	_ =	sfence  }
0xba: {  	s30 =	sld [smem:$0x0];
	_ =	sdelay $0x2  }
0xbb: {  	s31 =	sshll.u32 s1, $0xD;
	s1 =	sshrl.u32 s1, $0x2  }
0xbc: {  	s3 =	sand.u32 $0x4000, s31;
	s1 =	sadd.s32 s1, s30  }
0xbd: {  	s0 =	sor.u32 s3, s0;
	s1 =	sshll.u32 s1, $0x11  }
0xbe: {  	s0 =	sor.u32 s1, s0  }
0xbf: {  	s0 =	sadd.s32 $0x8F2B, s0  }
0xc0: {  	[sflag:s0] =	ssyncadd.remote.s32 $0x1  }
0xc1: {  	_ =	sfence.sel $0xFFFF  }
0xc2: {  	[dreg:$0x0] =	wrdreg $0xFFFFFFFF;
	(pc) =	sbr.abs _section_cstart, $3  }
0xc3: {  	[dreg:$0x1] =	wrdreg $0xFFFFFFFF  }
0xc4: {  	_ =	task.clear_ibuf [dreg:s9], $0x2FFFF;
	_ =	strace $0x9FFFFFFF  }
0xc5: {  	(tm) =	ssettm $0x7FFFFFFF  }
tec
execute0_lowered:
.L_overlay_start_1:
0x0: {  	(tag) =	ssettag $0x1  }
0x1: {  	s0 =	rddreg [dreg:$0x0]  }
0x2: {  	s2 =	rddreg [dreg:$0x1];
	s1 =	srdreg.scid  }
0x3: {  	s3 =	rddreg [dreg:$0x2];
	s4 =	stileid.u32  }
0x4: {  	s13 =	simm.s32 $0x80;
	s14 =	simm.s32 $0x1C00;
	s15 =	simm.s32 $0x5C00  }
0x5: {  	s17 =	simm.s32 $0x9C00;
	s19 =	simm.s32 $0xDC00;
	s21 =	simm.s32 $0x11C00  }
0x6: {  	s28 =	simm.s32 $0x1;
	s29 =	simm.s32 $0x8;
	s30 =	simm.s32 $0x2  }
0x7: {  	s31 =	simm.s32 $0x3;
	s9 =	simm.s32 $0x6;
	s10 =	simm.s32 $0x7  }
0x8: {  	s18 =	simm.s32 $0xB;
	s20 =	simm.s32 $0xC;
	s1 =	sand.u32 $0x1, s1  }
0x9: {  	s5 =	sshll.u32 s4, $0x8;
	s4 =	simm.s32 $0x0;
	s25 =	sadd.s32 $0x310000, s3  }
0xa: {  	s6 =	sshll.u32 s1, $0x7;
	s1 =	ssub.s32 $0x2, s1;
	[smem:$0x7FF] =	sst s4  }
0xb: {  	s5 =	sor.u32 s6, s5;
	s22 =	sshrl.u32 s1, $0x1;
	_ =	strace $0x80000047  }
0xc: {  	s6 =	simm.s32 $0x0;
	s7 =	sadd.s32 s0, s5;
	s23 =	ssub.s32 s1, s22  }
.Ltmp0:
0xd: {  	s1 =	simm.s32 $0x5;
	s22 =	simm.s32 $0xD;
	(pc) =	sbr.rel .LBB2_1-.Ltmp0, $4  }
0xe: {  	[dreg:$0x4] =	wrdreg s7;
	s24 =	sadd.s32 $0x6000, s7;
	s7 =	sshll.u32 s5, $0x4  }
0xf: {  	s0 =	smax.u32 s23, $0x1;
	s23 =	simm.s32 $0x15C00;
	[dreg:$0x5] =	wrdreg s24  }
0x10: {  	[dreg:$0x6] =	wrdreg s0;
	s26 =	sadd.s32 s7, s25;
	s0 =	simm.s32 $0x4  }
0x11: {  	s24 =	simm.s32 $0xE;
	[dreg:$0x7] =	wrdreg s26;
	s26 =	simm.s32 $0x19C00  }
.LBB2_4:
0x12: {  	_ =	swait.ge [sflag:s28], $0x4000  }
0x13: {  	[sflag:s28] =	ssyncset.done $0x0  }
0x14: {  	s5 =	rddreg [dreg:$0x7];
	[sflag:s28] =	ssyncadd.s32 $0xFFFFC000  }
0x15: {  	[hbm4b:s5+s4] =	stream.linear.scatter [tilespmem:s14], [sflag:$0x8], $0x4000, $0x38;
	[tilespmem:$0x1DC00] =	vst v63  }
0x16: {  	_ =	swait.ge [sflag:s29], $0x4000  }
0x17: {  	[sflag:s29] =	ssyncset.done $0x0  }
0x18: {  	s12 =	simm.s32 $0x9;
	[sflag:s29] =	ssyncadd.s32 $0xFFFFC000  }
0x19: {  	_ =	swait.ge [sflag:s12], $0x4000  }
0x1a: {  	[sflag:s12] =	ssyncset.done $0x0  }
0x1b: {  	s16 =	simm.s32 $0xA;
	[sflag:s12] =	ssyncadd.s32 $0xFFFFC000  }
0x1c: {  	_ =	swait.ge [sflag:s16], $0x4000  }
0x1d: {  	[sflag:s16] =	ssyncset.done $0x0  }
0x1e: {  	[sflag:s16] =	ssyncadd.s32 $0xFFFFC000  }
0x1f: {  	_ =	swait.ge [sflag:s18], $0x4000  }
0x20: {  	[sflag:s18] =	ssyncset.done $0x0  }
0x21: {  	[sflag:s18] =	ssyncadd.s32 $0xFFFFC000  }
0x22: {  	_ =	swait.ge [sflag:s20], $0x4000  }
0x23: {  	[sflag:s20] =	ssyncset.done $0x0  }
0x24: {  	[sflag:s20] =	ssyncadd.s32 $0xFFFFC000  }
0x25: {  	_ =	swait.ge [sflag:s22], $0x4000  }
0x26: {  	[sflag:s22] =	ssyncset.done $0x0  }
0x27: {  	[sflag:s22] =	ssyncadd.s32 $0xFFFFC000  }
0x28: {  	_ =	swait.ge [sflag:s24], $0x4000  }
0x29: {  	s6 =	sadd.s32 $0x1, s6;
	s25 =	rddreg [dreg:$0x6]  }
0x2a: {  	p0 =	sne.s32 s6, s25  }
.Ltmp1:
0x2b: {  	_ = 	snop;
	(pc) =	sbr.rel @!p0 .LBB2_5-.Ltmp1, $3  }
0x2c: {  	_ =	sdelay $0x1  }
0x2d: {  	[sflag:s24] =	ssyncset.done $0x0  }
0x2e: {  	[sflag:s24] =	ssyncadd.s32 $0xFFFFC000  }
.LBB2_1:
0x2f: {  	s5 =	rddreg [dreg:$0x4];
	s8 =	simm.s32 $0x400;
	s11 =	simm.s32 $0x8000  }
0x30: {  	[tilespmem:s4], [sflag:$0xF] =	stream.strided.gather [hbm4b:s5+s8], $0x1800, s11, s8, $0x38;
	[tilespmem:$0x1DC00] =	vst v63  }
0x31: {  	s12 =	rddreg [dreg:$0x5];
	s16 =	simm.s32 $0x1800;
	s25 =	simm.s32 $0xF  }
0x32: {  	[tilespmem:s16], [sflag:$0xF] =	stream.linear.gather [hbm4b:s12+s4], $0x100, $0x38;
	[tilespmem:$0x1DC00] =	vst v63  }
0x33: {  	_ =	swait.ge [sflag:s25], $0x1900  }
0x34: {  	[sflag:s25] =	ssyncset.done $0x0  }
0x35: {  	[sflag:s25] =	ssyncadd.s32 $0xFFFFE700  }
0x36: {  	[tilespmem:s14], [sflag:$0x1] =	stream.indirect.gather [hbm4b:s2+s13], $0x80, s4, s13, $0xb8;
	[tilespmem:$0x1DC00] =	vst v63  }
0x37: {  	_ = 	snop  }
0x38: {  	[tilespmem:s15], [sflag:$0x2] =	stream.indirect.gather [hbm4b:s2+s13], $0x80, s13, s13, $0xb8;
	[tilespmem:$0x1DC00] =	vst v63  }
0x39: {  	s8 =	simm.s32 $0x100  }
0x3a: {  	[tilespmem:s17], [sflag:$0x3] =	stream.indirect.gather [hbm4b:s2+s13], $0x80, s8, s13, $0xb8;
	[tilespmem:$0x1DC00] =	vst v63  }
0x3b: {  	s11 =	simm.s32 $0x180  }
0x3c: {  	[tilespmem:s19], [sflag:$0x4] =	stream.indirect.gather [hbm4b:s2+s13], $0x80, s11, s13, $0xb8;
	[tilespmem:$0x1DC00] =	vst v63  }
0x3d: {  	s12 =	simm.s32 $0x200  }
0x3e: {  	[tilespmem:s21], [sflag:$0x5] =	stream.indirect.gather [hbm4b:s2+s13], $0x80, s12, s13, $0xb8;
	[tilespmem:$0x1DC00] =	vst v63  }
0x3f: {  	s16 =	simm.s32 $0x280  }
0x40: {  	[tilespmem:s23], [sflag:$0x6] =	stream.indirect.gather [hbm4b:s2+s13], $0x80, s16, s13, $0xb8;
	[tilespmem:$0x1DC00] =	vst v63  }
0x41: {  	s5 =	simm.s32 $0x680;
	s25 =	simm.s32 $0x300;
	s8 =	simm.s32 $0x0  }
0x42: {  	[tilespmem:s26], [sflag:$0x7] =	stream.indirect.gather [hbm4b:s2+s13], $0x80, s25, s13, $0xb8;
	[tilespmem:$0x1DC00] =	vst v63  }
.LBB2_2:
0x43: {  	_ =	swait.ge [sflag:s28], $0x4000  }
0x44: {  	s25 =	sadd.s32 s8, s3;
	[sflag:s28] =	ssyncset.done $0x0  }
0x45: {  	s25 =	sadd.s32 s7, s25;
	[sflag:s28] =	ssyncadd.s32 $0xFFFFC000  }
0x46: {  	[hbm4b:s25+s4] =	stream.linear.scatter [tilespmem:s14], [sflag:$0x8], $0x4000, $0x38;
	[tilespmem:$0x1DC00] =	vst v63  }
0x47: {  	_ =	swait.ge [sflag:s29], $0x4000  }
0x48: {  	[sflag:s29] =	ssyncset.done $0x0  }
0x49: {  	s12 =	sadd.s32 $0xFFFFFD00, s5;
	[sflag:s29] =	ssyncadd.s32 $0xFFFFC000  }
0x4a: {  	[tilespmem:s14], [sflag:$0x1] =	stream.indirect.gather [hbm4b:s2+s13], $0x80, s12, s13, $0xb8;
	[tilespmem:$0x1DC00] =	vst v63  }
0x4b: {  	_ =	swait.ge [sflag:s30], $0x4000  }
0x4c: {  	p0 =	seq.s32 s8, $0x2A0000;
	[sflag:s30] =	ssyncset.done $0x0  }
0x4d: {  	s11 =	sadd.s32 $0x10000, s25;
	s12 =	simm.s32 @!p0 $0x9;
	[sflag:s30] =	ssyncadd.s32 $0xFFFFC000  }
0x4e: {  	[hbm4b:s11+s4] =	stream.linear.scatter [tilespmem:s15], [sflag:$0x9], $0x4000, $0x38;
	[tilespmem:$0x1DC00] =	vst v63  }
0x4f: {  	_ =	swait.ge @!p0 [sflag:s12], $0x4000  }
0x50: {  	s16 =	simm.s32 @!p0 $0x5C00;
	[sflag:s12] =	ssyncset.done @!p0 $0x0  }
0x51: {  	s11 =	simm.s32 @!p0 $0x80;
	[sflag:s12] =	ssyncadd.s32 @!p0 $0xFFFFC000;
	s12 =	sadd.s32 @!p0 $0xFFFFFD80, s5  }
0x52: {  	[tilespmem:s16], [sflag:$0x2] =	stream.indirect.gather @!p0 [hbm4b:s2+s11], $0x80, s12, s11, $0xb8;
	[tilespmem:$0x1DC00] =	vst v63  }
0x53: {  	_ =	swait.ge [sflag:s31], $0x4000  }
0x54: {  	[sflag:s31] =	ssyncset.done $0x0  }
0x55: {  	s16 =	sadd.s32 $0x20000, s25;
	s12 =	simm.s32 @!p0 $0xA;
	[sflag:s31] =	ssyncadd.s32 $0xFFFFC000  }
0x56: {  	[hbm4b:s16+s4] =	stream.linear.scatter [tilespmem:s17], [sflag:$0xA], $0x4000, $0x38;
	[tilespmem:$0x1DC00] =	vst v63  }
0x57: {  	_ =	swait.ge @!p0 [sflag:s12], $0x4000  }
0x58: {  	[sflag:s12] =	ssyncset.done @!p0 $0x0  }
0x59: {  	s16 =	simm.s32 @!p0 $0x9C00;
	[sflag:s12] =	ssyncadd.s32 @!p0 $0xFFFFC000;
	s12 =	sadd.s32 @!p0 $0xFFFFFE00, s5  }
0x5a: {  	[tilespmem:s16], [sflag:$0x3] =	stream.indirect.gather @!p0 [hbm4b:s2+s11], $0x80, s12, s11, $0xb8;
	[tilespmem:$0x1DC00] =	vst v63  }
0x5b: {  	_ =	swait.ge [sflag:s0], $0x4000  }
0x5c: {  	[sflag:s0] =	ssyncset.done $0x0  }
0x5d: {  	s16 =	sadd.s32 $0x30000, s25;
	s12 =	simm.s32 @!p0 $0xB;
	[sflag:s0] =	ssyncadd.s32 $0xFFFFC000  }
0x5e: {  	[hbm4b:s16+s4] =	stream.linear.scatter [tilespmem:s19], [sflag:$0xB], $0x4000, $0x38;
	[tilespmem:$0x1DC00] =	vst v63  }
0x5f: {  	_ =	swait.ge @!p0 [sflag:s12], $0x4000  }
0x60: {  	[sflag:s12] =	ssyncset.done @!p0 $0x0  }
0x61: {  	s16 =	simm.s32 @!p0 $0xDC00;
	[sflag:s12] =	ssyncadd.s32 @!p0 $0xFFFFC000;
	s12 =	sadd.s32 @!p0 $0xFFFFFE80, s5  }
0x62: {  	[tilespmem:s16], [sflag:$0x4] =	stream.indirect.gather @!p0 [hbm4b:s2+s11], $0x80, s12, s11, $0xb8;
	[tilespmem:$0x1DC00] =	vst v63  }
0x63: {  	_ =	swait.ge [sflag:s1], $0x4000  }
0x64: {  	[sflag:s1] =	ssyncset.done $0x0  }
0x65: {  	s16 =	sadd.s32 $0x40000, s25;
	s12 =	simm.s32 @!p0 $0xC;
	[sflag:s1] =	ssyncadd.s32 $0xFFFFC000  }
0x66: {  	[hbm4b:s16+s4] =	stream.linear.scatter [tilespmem:s21], [sflag:$0xC], $0x4000, $0x38;
	[tilespmem:$0x1DC00] =	vst v63  }
0x67: {  	_ =	swait.ge @!p0 [sflag:s12], $0x4000  }
0x68: {  	[sflag:s12] =	ssyncset.done @!p0 $0x0  }
0x69: {  	s16 =	simm.s32 @!p0 $0x11C00;
	[sflag:s12] =	ssyncadd.s32 @!p0 $0xFFFFC000;
	s12 =	sadd.s32 @!p0 $0xFFFFFF00, s5  }
0x6a: {  	[tilespmem:s16], [sflag:$0x5] =	stream.indirect.gather @!p0 [hbm4b:s2+s11], $0x80, s12, s11, $0xb8;
	[tilespmem:$0x1DC00] =	vst v63  }
0x6b: {  	_ =	swait.ge [sflag:s9], $0x4000  }
0x6c: {  	[sflag:s9] =	ssyncset.done $0x0  }
0x6d: {  	s16 =	sadd.s32 $0x50000, s25;
	s12 =	simm.s32 @!p0 $0xD;
	[sflag:s9] =	ssyncadd.s32 $0xFFFFC000  }
0x6e: {  	[hbm4b:s16+s4] =	stream.linear.scatter [tilespmem:s23], [sflag:$0xD], $0x4000, $0x38;
	[tilespmem:$0x1DC00] =	vst v63  }
0x6f: {  	_ =	swait.ge @!p0 [sflag:s12], $0x4000  }
0x70: {  	[sflag:s12] =	ssyncset.done @!p0 $0x0  }
0x71: {  	s16 =	simm.s32 @!p0 $0x15C00;
	[sflag:s12] =	ssyncadd.s32 @!p0 $0xFFFFC000;
	s12 =	sadd.s32 @!p0 $0xFFFFFF80, s5  }
0x72: {  	[tilespmem:s16], [sflag:$0x6] =	stream.indirect.gather @!p0 [hbm4b:s2+s11], $0x80, s12, s11, $0xb8;
	[tilespmem:$0x1DC00] =	vst v63  }
.Ltmp2:
0x73: {  	_ = 	snop;
	(pc) =	sbr.rel @p0 .LBB2_4-.Ltmp2, $4  }
0x74: {  	_ =	swait.ge [sflag:s10], $0x4000  }
0x75: {  	[sflag:s10] =	ssyncset.done $0x0  }
0x76: {  	s25 =	sadd.s32 $0x60000, s25;
	[sflag:s10] =	ssyncadd.s32 $0xFFFFC000  }
0x77: {  	[hbm4b:s25+s4] =	stream.linear.scatter [tilespmem:s26], [sflag:$0xE], $0x4000, $0x38;
	[tilespmem:$0x1DC00] =	vst v63  }
.Ltmp3:
0x78: {  	_ =	swait.ge [sflag:s24], $0x4000;
	(pc) =	sbr.rel .LBB2_2-.Ltmp3, $4  }
0x79: {  	[sflag:s24] =	ssyncset.done $0x0  }
0x7a: {  	[sflag:s24] =	ssyncadd.s32 $0xFFFFC000  }
0x7b: {  	[tilespmem:s26], [sflag:$0x7] =	stream.indirect.gather [hbm4b:s2+s13], $0x80, s5, s13, $0xb8;
	[tilespmem:$0x1DC00] =	vst v63  }
0x7c: {  	s8 =	sadd.s32 $0x70000, s8;
	s5 =	sadd.s32 $0x380, s5  }
.LBB2_5:
0x7d: {  	_ =	sfence.sel $0x180000  }
0x7e: {  	[bflag:$0x0] =	sbarrier.arrive $0xFFFF  }
0x7f: {  	_ =	strace $0x90000047  }
0x80: {  	s0 =	stileid.u32;
	[bflag:$0x2] =	sbarrier.arrive $0xFFFF  }
0x81: {  	p0 =	sne.s32 s0, $0x0;
	s0 =	rddreg [dreg:$0x3]  }
0x82: {  	s0 =	sadd.s32 @!p0 $0x100000, s0  }
0x83: {  	[sflag:s0] =	ssyncadd.tile.s32 @!p0 $0x1;
	_ =	shalt  }
.Lfunc_end2:
_tile_overlayer_lowered:
.L_overlay_start_2:
0x84: {  	(tag) =	ssettag $0x2  }
0x85: {  	s0 =	rddreg [dreg:$0x0];
	s2 =	stileid.u32  }
0x86: {  	s1 =	rddreg [dreg:$0x1];
	p0 =	sne.s32 s2, $0x0  }
0x87: {  	s3 =	rddreg [dreg:$0x2];
	[bflag:$0x3] =	sbarrier.arrive $0xFFFF;
	s2 =	simm.s32 @!p0 $0x1C0F  }
0x88: {  	[timem:s3], [sflag:s2] =	dma.local @!p0 [hbm:s0], s1  }
0x89: {  	s0 =	simm.s32 @!p0 $0xF  }
0x8a: {  	_ =	swait.ge @!p0 [sflag:s0], s1  }
0x8b: {  	s1 =	ssub.s32 @!p0 $0x0, s1;
	[sflag:s0] =	ssyncset.done @!p0 $0x0  }
0x8c: {  	[sflag:s0] =	ssyncadd.s32 @!p0 s1  }
0x8d: {  	[bflag:$0x3] =	sbarrier.arrive $0xFFFF  }
0x8e: {  	_ =	shalt  }

</sc_bundles>
